<compile_context>
chip_gen: v7x
topology: tpu7x:2x2x1
jax: 0.10.2.dev20260603
libtpu: 0.0.44.dev20260713+nightly
codegen_flags: <defaults>
</compile_context>

<pallas_src>
import functools

import jax
import jax.numpy as jnp
from jax import lax
from jax.experimental import pallas as pl
from jax.experimental.pallas import tpu as pltpu
import jax.experimental.pallas.tpu_sc as plsc

N = 10000
E = 320000
D = 128
H = 4
CPH = 32
W = 144
NPAD = 10240
CH = 128
NCHUNK = E // CH
try:
  _info = plsc.get_sparse_core_info()
  NC, NS = _info.num_cores, _info.num_subcores
except Exception:
  NC, NS = 2, 16
NW = NC * NS
ITERS = -(-NCHUNK // NW)
SLICE = NPAD // NS


def _head_expand_mat():
  hi = lax.broadcasted_iota(jnp.int32, (H, D), 0)
  rj = lax.broadcasted_iota(jnp.int32, (H, D), 1)
  return jnp.where(hi == rj // CPH, 1.0, 0.0).astype(jnp.float32)


def _stage1_body(feat_ref, wp_ref, bp_ref, wg_ref, att_ref, zc_ref):
  feat = feat_ref[...]
  wp = wp_ref[0]
  wg = wg_ref[0]
  w2 = jnp.dot(wg, wp, preferred_element_type=jnp.float32)
  b2 = jnp.dot(bp_ref[0], wg.T, preferred_element_type=jnp.float32)
  xs = jnp.dot(feat, w2.T, preferred_element_type=jnp.float32) + b2
  attv = att_ref[0][0]
  rowid = lax.broadcasted_iota(jnp.int32, (D, H), 0)
  colid = lax.broadcasted_iota(jnp.int32, (D, H), 1)
  amat = jnp.where(rowid // CPH == colid, attv[:, None], 0.0)
  a = jnp.dot(xs, amat, preferred_element_type=jnp.float32)
  ls = jnp.where(a > 0, a, 0.2 * a)
  gmax = jnp.max(ls, axis=0, keepdims=True)
  p = jnp.exp(ls - gmax)
  pex = jnp.dot(p, _head_expand_mat(), preferred_element_type=jnp.float32)
  zc_ref[0, :, 0:D] = pex * xs
  zc_ref[0, :, D:D + H] = p
  zc_ref[0, :, D + H:W] = jnp.zeros((N, W - D - H), jnp.float32)


def _stage1(features, wp_s, bp_s, wg_s, att_s):
  return pl.pallas_call(
      _stage1_body,
      grid=(2,),
      in_specs=[
          pl.BlockSpec((N, D), lambda m: (0, 0)),
          pl.BlockSpec((1, D, D), lambda m: (m, 0, 0)),
          pl.BlockSpec((1, 1, D), lambda m: (m, 0, 0)),
          pl.BlockSpec((1, D, D), lambda m: (m, 0, 0)),
          pl.BlockSpec((1, 1, D), lambda m: (m, 0, 0)),
      ],
      out_specs=pl.BlockSpec((1, N, W), lambda m: (m, 0, 0)),
      out_shape=jax.ShapeDtypeStruct((2, N, W), jnp.float32),
  )(features, wp_s, bp_s, wg_s, att_s)


def _sc_body(nid_hbm, ei_hbm, zcat_hbm, zeros_hbm, part_hbm,
             nid_v, src_v, src2_v, dst_v, rows_v, acc, sem):
  c = lax.axis_index("c")
  s = lax.axis_index("s")
  wid = s * NC + c

  for m in range(2):
    pltpu.sync_copy(zeros_hbm, acc.at[pl.ds(s * SLICE, SLICE)])
    pltpu.sync_copy(nid_hbm.at[m], nid_v)
    plsc.subcore_barrier()

    def chunk_body(j, carry, m=m):
      cid = wid + NW * j

      @pl.when(cid < NCHUNK)
      def _():
        pltpu.sync_copy(ei_hbm.at[2 * m, cid], src_v)
        pltpu.sync_copy(ei_hbm.at[2 * m + 1, cid], dst_v)
        off = jnp.int32(m * N)
        for g in range(CH // 16):
          idx = src_v[pl.ds(g * 16, 16)]
          src2_v[pl.ds(g * 16, 16)] = plsc.load_gather(nid_v, [idx]) + off
        pltpu.async_copy(zcat_hbm.at[src2_v], rows_v, sem).wait()
        pltpu.sync_copy(rows_v, acc.at[dst_v], add=True)

      return carry

    lax.fori_loop(0, ITERS, chunk_body, 0)
    plsc.subcore_barrier()
    q = 2 * m + c
    pltpu.sync_copy(acc.at[pl.ds(s * SLICE, SLICE)],
                    part_hbm.at[q, pl.ds(s * SLICE, SLICE)])


def _sc_aggregate(nid_s, ei_all, zcat_flat, zeros):
  mesh = plsc.VectorSubcoreMesh(
      core_axis_name="c", subcore_axis_name="s",
      num_cores=NC, num_subcores=NS)
  f = pl.kernel(
      _sc_body,
      out_type=jax.ShapeDtypeStruct((4, NPAD, W), jnp.float32),
      mesh=mesh,
      scratch_types=[
          pltpu.VMEM((N,), jnp.int32),
          pltpu.VMEM((CH,), jnp.int32),
          pltpu.VMEM((CH,), jnp.int32),
          pltpu.VMEM((CH,), jnp.int32),
          pltpu.VMEM((CH, W), jnp.float32),
          pltpu.VMEM_SHARED((NPAD, W), jnp.float32),
          pltpu.SemaphoreType.DMA,
      ],
      compiler_params=pltpu.CompilerParams(
          needs_layout_passes=False, use_tc_tiling_on_sc=False),
  )
  return f(nid_s, ei_all, zcat_flat, zeros)


def _stage2_body(part_ref, bias_ref, sc_ref, im_ref, wemb_ref, bemb_ref,
                 emb_ref):
  p = part_ref[...]
  e4 = _head_expand_mat()
  sc = sc_ref[...]
  im = im_ref[...]
  xst = None
  for m in range(2):
    num = p[2 * m, :, 0:D] + p[2 * m + 1, :, 0:D]
    den = p[2 * m, :, D:D + H] + p[2 * m + 1, :, D:D + H]
    dene = jnp.dot(den, e4, preferred_element_type=jnp.float32)
    out = num / (dene + 1e-16) + bias_ref[m, 0]
    xg = 2.0 * out
    term = sc[0:1, m:m + 1] * im[:, m:m + 1] * xg
    xst = term if xst is None else xst + term
  emb = jnp.dot(xst, wemb_ref[...].T, preferred_element_type=jnp.float32)
  emb_ref[...] = emb + bemb_ref[0]


def _stage2(part, bias_s, scales, interp, w_emb, b_emb2):
  r = 1000
  return pl.pallas_call(
      _stage2_body,
      grid=(N // r,),
      in_specs=[
          pl.BlockSpec((4, r, W), lambda i: (0, i, 0)),
          pl.BlockSpec((2, 1, D), lambda i: (0, 0, 0)),
          pl.BlockSpec((1, 2), lambda i: (0, 0)),
          pl.BlockSpec((r, 2), lambda i: (i, 0)),
          pl.BlockSpec((D, D), lambda i: (0, 0)),
          pl.BlockSpec((1, D), lambda i: (0, 0)),
      ],
      out_specs=pl.BlockSpec((r, D), lambda i: (i, 0)),
      out_shape=jax.ShapeDtypeStruct((N, D), jnp.float32),
  )(part, bias_s, scales, interp, w_emb, b_emb2)


def _dot_body(a_ref, b_ref, o_ref):
  o_ref[...] = lax.dot_general(
      a_ref[...], b_ref[...], (((1,), (1,)), ((), ())),
      preferred_element_type=jnp.float32)


def _dot(emb):
  t = 400
  return pl.pallas_call(
      _dot_body,
      grid=(N // t,),
      in_specs=[
          pl.BlockSpec((t, D), lambda i: (i, 0)),
          pl.BlockSpec((N, D), lambda i: (0, 0)),
      ],
      out_specs=pl.BlockSpec((t, N), lambda i: (i, 0)),
      out_shape=jax.ShapeDtypeStruct((N, N), jnp.float32),
  )(emb, emb)


def _interp_masks(scales_param, masks):
  scales = jax.nn.softmax(scales_param, axis=-1)
  rk = jax.random.key(123)
  rm = jax.random.randint(rk, masks.shape, 0, 2).astype(jnp.float32)
  mask_sum = 1.0 / (1.0 + jnp.sum(rm, axis=-1)) ** 20
  rm = rm + mask_sum[:, None]
  rm = rm + (1.0 / (jnp.sum(masks, axis=-1) ** 20))[:, None]
  rm = jnp.trunc(rm)
  rm = rm / (rm + 1e-10)
  m = masks * rm
  interp = jax.nn.softmax(m + (1.0 - m) * (-1e10), axis=-1)
  return scales, interp


def kernel(features, n_id_0, n_id_1, edge_index_0, edge_index_1, masks,
           W_pre_0, b_pre_0, W_gat_0, att_src_0, bias_gat_0,
           W_pre_1, b_pre_1, W_gat_1, att_src_1, bias_gat_1,
           scales_param, W_emb, b_emb):
  scales, interp = _interp_masks(scales_param, masks)

  wp_s = jnp.stack([W_pre_0, W_pre_1])
  bp_s = jnp.stack([b_pre_0, b_pre_1])[:, None, :]
  wg_s = jnp.stack([W_gat_0, W_gat_1])
  att_s = jnp.stack([att_src_0.reshape(1, D), att_src_1.reshape(1, D)])
  bias_s = jnp.stack([bias_gat_0, bias_gat_1])[:, None, :]

  zcat = _stage1(features, wp_s, bp_s, wg_s, att_s)
  zcat_flat = zcat.reshape(2 * N, W)

  nid_s = jnp.stack([n_id_0, n_id_1]).astype(jnp.int32)
  ei_all = jnp.concatenate(
      [edge_index_0, edge_index_1], axis=0).astype(jnp.int32)
  ei_all = ei_all.reshape(4, NCHUNK, CH)
  zeros = jnp.zeros((SLICE, W), jnp.float32)

  part = _sc_aggregate(nid_s, ei_all, zcat_flat, zeros)

  emb = _stage2(part, bias_s, scales, interp, W_emb,
                b_emb[None, :])
  dot = _dot(emb)
  return (dot, emb, scales)

# --- scband reference (transcript-rebuilt; emitter-appended) ---
"""Pipeline reference for scband-bionic-68092411510857 (READ-ONLY COPY).

The authoritative reference and input builder live on the scoring server;
editing this copy changes nothing except your own understanding.
"""

import jax, jax.numpy as jnp
import numpy as np

N = 10000
E = 320000
DSVD = 128
H = 4
C = 32
DINT = H * C
B = 10000
NMOD = 2
EMB = 128


def setup_inputs(seed: int = 0):
    key = jax.random.key(seed)
    ks = jax.random.split(key, 16)
    inp = {}
    inp["features"] = jax.random.normal(ks[0], (N, DSVD), dtype=jnp.float32)
    inp["n_id_0"] = jax.random.randint(ks[1], (N,), 0, N)
    inp["n_id_1"] = jax.random.randint(ks[2], (N,), 0, N)
    inp["edge_index_0"] = jax.random.randint(ks[3], (2, E), 0, N)
    inp["edge_index_1"] = jax.random.randint(ks[4], (2, E), 0, N)
    inp["masks"] = jnp.ones((B, NMOD), dtype=jnp.float32)
    inp["W_pre_0"] = jax.random.normal(ks[5], (DINT, DSVD), dtype=jnp.float32) * 0.05
    inp["b_pre_0"] = jnp.zeros((DINT,), dtype=jnp.float32)
    inp["W_gat_0"] = jax.random.normal(ks[6], (DINT, DINT), dtype=jnp.float32) * 0.05
    inp["att_src_0"] = jax.random.normal(ks[7], (1, H, C), dtype=jnp.float32) * 0.05
    inp["bias_gat_0"] = jnp.zeros((DINT,), dtype=jnp.float32)
    inp["W_pre_1"] = jax.random.normal(ks[8], (DINT, DSVD), dtype=jnp.float32) * 0.05
    inp["b_pre_1"] = jnp.zeros((DINT,), dtype=jnp.float32)
    inp["W_gat_1"] = jax.random.normal(ks[9], (DINT, DINT), dtype=jnp.float32) * 0.05
    inp["att_src_1"] = jax.random.normal(ks[10], (1, H, C), dtype=jnp.float32) * 0.05
    inp["bias_gat_1"] = jnp.zeros((DINT,), dtype=jnp.float32)
    inp["scales_param"] = jnp.full((1, NMOD), 1.0 / NMOD, dtype=jnp.float32)
    inp["W_emb"] = jax.random.normal(ks[11], (EMB, DINT), dtype=jnp.float32) * 0.05
    inp["b_emb"] = jnp.zeros((EMB,), dtype=jnp.float32)
    return inp


def _gat(x, W_gat, att_src, bias_gat, edge_index):
    # PyG GATConv with bipartite input (x, None): alpha from src only
    xs = (x @ W_gat.T).reshape(-1, H, C)
    a = jnp.sum(xs * att_src, axis=-1)  # [N_src, H]
    src = edge_index[0]
    dst = edge_index[1]
    al = a[src]
    al = jnp.where(al > 0, al, 0.2 * al)  # leaky_relu, PyG default slope 0.2
    amax = jax.ops.segment_max(al, dst, num_segments=B)
    amax = jnp.where(jnp.isfinite(amax), amax, 0.0)
    ex = jnp.exp(al - amax[dst])
    den = jax.ops.segment_sum(ex, dst, num_segments=B)
    w = ex / (den[dst] + 1e-16)
    msg = xs[src] * w[:, :, None]
    out = jax.ops.segment_sum(msg, dst, num_segments=B).reshape(B, DINT) + bias_gat
    return out


def _interp(scales_param, masks):
    scales = jax.nn.softmax(scales_param, axis=-1)
    rk = jax.random.key(123)
    rm = jax.random.randint(rk, masks.shape, 0, 2).astype(jnp.float32)
    mask_sum = 1.0 / (1.0 + jnp.sum(rm, axis=-1)) ** 20
    rm = rm + mask_sum[:, None]
    rm = rm + (1.0 / (jnp.sum(masks, axis=-1) ** 20))[:, None]
    rm = jnp.trunc(rm)
    rm = rm / (rm + 1e-10)
    m = masks * rm
    interp_masks = jax.nn.softmax(m + (1.0 - m) * (-1e10), axis=-1)
    return scales, interp_masks


def reference(features, n_id_0, n_id_1, edge_index_0, edge_index_1, masks, W_pre_0, b_pre_0, W_gat_0, att_src_0, bias_gat_0, W_pre_1, b_pre_1, W_gat_1, att_src_1, bias_gat_1, scales_param, W_emb, b_emb):
    scales, interp_masks = _interp(scales_param, masks)
    x_store = jnp.zeros((B, DINT), dtype=jnp.float32)
    per = [
        (n_id_0, edge_index_0, W_pre_0, b_pre_0, W_gat_0, att_src_0, bias_gat_0),
        (n_id_1, edge_index_1, W_pre_1, b_pre_1, W_gat_1, att_src_1, bias_gat_1),
    ]
    for i, (n_id, ei, Wp, bp, Wg, ats, bg) in enumerate(per):
        x = features[n_id]  # svd feature gather (svd_dim path)
        x = x @ Wp.T + bp  # pre-GAT dense
        xg = _gat(x, Wg, ats, bg, ei)
        xg = 2.0 * xg  # sum(x_store_layer) + x with n_layers=1 -> 2*x
        x_store = x_store + scales[:, i] * interp_masks[:, i][:, None] * xg
    emb = x_store @ W_emb.T + b_emb
    dot = emb @ emb.T
    return (dot, emb, scales)

if __name__ == "__main__":
    import jax
    _d = setup_inputs()
    print(jax.jit(kernel)(*tuple(_d.values())))

</pallas_src>

<mosaic_0001>
#map = affine_map<(d0, d1) -> (0, 0)>
#map1 = affine_map<(d0, d1) -> (0, 0, 0)>
module attributes {stable_mosaic.version = 14 : i64} {
  func.func @_sc_body(%arg0: i32, %arg1: i32, %arg2: memref<2x10000xi32, #tpu.memory_space<hbm>>, %arg3: memref<4x2500x128xi32, #tpu.memory_space<hbm>>, %arg4: memref<20000x144xf32, #tpu.memory_space<hbm>>, %arg5: memref<640x144xf32, #tpu.memory_space<hbm>>, %arg6: memref<4x10240x144xf32, #tpu.memory_space<hbm>>, %arg7: memref<10000xi32, #tpu.memory_space<vmem>>, %arg8: memref<128xi32, #tpu.memory_space<vmem>>, %arg9: memref<128xi32, #tpu.memory_space<vmem>>, %arg10: memref<128xi32, #tpu.memory_space<vmem>>, %arg11: memref<128x144xf32, #tpu.memory_space<vmem>>, %arg12: memref<10240x144xf32, #tpu.memory_space<vmem_shared>>, %arg13: memref<!tpu.dma_semaphore, #tpu.memory_space<semaphore_mem>>) attributes {dimension_semantics = [#tpu.dimension_semantics<core_parallel>, #tpu.dimension_semantics<subcore_parallel>], iteration_bounds = array<i64: 2, 16>, scalar_prefetch = 0 : i64, scratch_operands = 7 : i64, tpu.core_type = #tpu.core_type<sc_vector_subcore>, window_params = [{transform_indices = #map}, {transform_indices = #map1}, {transform_indices = #map}, {transform_indices = #map}, {transform_indices = #map1}]} {
    %mul3A = arith.constant 2 : i32
    %mul3A_0 = arith.muli %arg1, %mul3A : i32
    %add3A = arith.addi %mul3A_0, %arg0 : i32
    %mul3A_1 = arith.constant 640 : i32
    %mul3A_2 = arith.muli %arg1, %mul3A_1 : i32
    "tpu.region"() ({
      %run_scoped3A_32 = tpu.sem_alloc : memref<!tpu.dma_semaphore, #tpu.memory_space<semaphore_mem>>
      %dma_start3A = arith.constant 0 : i32
      %dma_start3A_33 = tpu.memref_slice %arg12[%mul3A_2, %dma_start3A] : memref<10240x144xf32, #tpu.memory_space<vmem_shared>> -> memref<640x144xf32, #tpu.memory_space<vmem_shared>>
      tpu.enqueue_dma source(%arg5 : memref<640x144xf32, #tpu.memory_space<hbm>>) target(%dma_start3A_33 : memref<640x144xf32, #tpu.memory_space<vmem_shared>>) target_semaphore(%run_scoped3A_32 : memref<!tpu.dma_semaphore, #tpu.memory_space<semaphore_mem>>)
      %dma_wait3A = arith.constant 0 : i32
      %dma_wait3A_34 = tpu.memref_slice %arg12[%mul3A_2, %dma_wait3A] : memref<10240x144xf32, #tpu.memory_space<vmem_shared>> -> memref<640x144xf32, #tpu.memory_space<vmem_shared>>
      tpu.wait_dma2 semaphore(%run_scoped3A_32 : memref<!tpu.dma_semaphore, #tpu.memory_space<semaphore_mem>>) src(%arg5 : memref<640x144xf32, #tpu.memory_space<hbm>>) dst(%dma_wait3A_34 : memref<640x144xf32, #tpu.memory_space<vmem_shared>>)
      tpu.yield
    }) : () -> ()
    %run_scoped3A = arith.constant 0 : i32
    "tpu.region"() ({
      %run_scoped3A_32 = tpu.sem_alloc : memref<!tpu.dma_semaphore, #tpu.memory_space<semaphore_mem>>
      %dma_start3A = arith.constant 0 : i32
      %dma_start3A_33 = tpu.memref_slice %arg2[%run_scoped3A, %dma_start3A] : memref<2x10000xi32, #tpu.memory_space<hbm>> -> memref<1x10000xi32, #tpu.memory_space<hbm>>
      %dma_start3A_34 = tpu.memref_squeeze %dma_start3A_33 : memref<1x10000xi32, #tpu.memory_space<hbm>> -> memref<10000xi32, #tpu.memory_space<hbm>>
      %dma_start3A_35 = arith.constant 0 : i32
      %dma_start3A_36 = tpu.memref_slice %arg2[%run_scoped3A, %dma_start3A_35] : memref<2x10000xi32, #tpu.memory_space<hbm>> -> memref<1x10000xi32, #tpu.memory_space<hbm>>
      %dma_start3A_37 = tpu.memref_squeeze %dma_start3A_36 : memref<1x10000xi32, #tpu.memory_space<hbm>> -> memref<10000xi32, #tpu.memory_space<hbm>>
      tpu.enqueue_dma source(%dma_start3A_37 : memref<10000xi32, #tpu.memory_space<hbm>>) target(%arg7 : memref<10000xi32, #tpu.memory_space<vmem>>) target_semaphore(%run_scoped3A_32 : memref<!tpu.dma_semaphore, #tpu.memory_space<semaphore_mem>>)
      %dma_wait3A = arith.constant 0 : i32
      %dma_wait3A_38 = tpu.memref_slice %arg2[%run_scoped3A, %dma_wait3A] : memref<2x10000xi32, #tpu.memory_space<hbm>> -> memref<1x10000xi32, #tpu.memory_space<hbm>>
      %dma_wait3A_39 = tpu.memref_squeeze %dma_wait3A_38 : memref<1x10000xi32, #tpu.memory_space<hbm>> -> memref<10000xi32, #tpu.memory_space<hbm>>
      %dma_wait3A_40 = arith.constant 0 : i32
      %dma_wait3A_41 = tpu.memref_slice %arg2[%run_scoped3A, %dma_wait3A_40] : memref<2x10000xi32, #tpu.memory_space<hbm>> -> memref<1x10000xi32, #tpu.memory_space<hbm>>
      %dma_wait3A_42 = tpu.memref_squeeze %dma_wait3A_41 : memref<1x10000xi32, #tpu.memory_space<hbm>> -> memref<10000xi32, #tpu.memory_space<hbm>>
      tpu.wait_dma2 semaphore(%run_scoped3A_32 : memref<!tpu.dma_semaphore, #tpu.memory_space<semaphore_mem>>) src(%dma_wait3A_42 : memref<10000xi32, #tpu.memory_space<hbm>>) dst(%arg7 : memref<10000xi32, #tpu.memory_space<vmem>>)
      tpu.yield
    }) : () -> ()
    %barrier3A = arith.constant 0 : index
    tpu.barrier barrier_id(%barrier3A)
    %scan3A = arith.constant 0 : i32
    %scan3A_3 = arith.constant 0 : i32
    %scan3A_4 = arith.constant 79 : i32
    %scan3A_5 = arith.addi %scan3A_3, %scan3A_4 : i32
    %scan3A_6 = arith.constant 1 : i32
    scf.for %scan3A_32 = %scan3A_3 to %scan3A_5 step %scan3A_6  : i32 {
      %mul3A_33 = arith.constant 32 : i32
      %mul3A_34 = arith.muli %mul3A_33, %scan3A_32 : i32
      %add3A_35 = arith.addi %add3A, %mul3A_34 : i32
      %lt3A = arith.constant 2500 : i32
      %lt3A_36 = arith.cmpi slt, %add3A_35, %lt3A : i32
      %convert_element_type3A = arith.extui %lt3A_36 : i1 to i32
      %cond3A = arith.constant 0 : i32
      %cond3A_37 = arith.cmpi ne, %convert_element_type3A, %cond3A : i32
      scf.if %cond3A_37 {
        %run_scoped3A_38 = arith.constant 0 : i32
        "tpu.region"() ({
          %run_scoped3A_105 = tpu.sem_alloc : memref<!tpu.dma_semaphore, #tpu.memory_space<semaphore_mem>>
          %dma_start3A_106 = arith.constant 0 : i32
          %dma_start3A_107 = tpu.memref_slice %arg3[%run_scoped3A_38, %add3A_35, %dma_start3A_106] : memref<4x2500x128xi32, #tpu.memory_space<hbm>> -> memref<1x1x128xi32, #tpu.memory_space<hbm>>
          %dma_start3A_108 = tpu.memref_squeeze %dma_start3A_107 : memref<1x1x128xi32, #tpu.memory_space<hbm>> -> memref<128xi32, #tpu.memory_space<hbm>>
          %dma_start3A_109 = arith.constant 0 : i32
          %dma_start3A_110 = tpu.memref_slice %arg3[%run_scoped3A_38, %add3A_35, %dma_start3A_109] : memref<4x2500x128xi32, #tpu.memory_space<hbm>> -> memref<1x1x128xi32, #tpu.memory_space<hbm>>
          %dma_start3A_111 = tpu.memref_squeeze %dma_start3A_110 : memref<1x1x128xi32, #tpu.memory_space<hbm>> -> memref<128xi32, #tpu.memory_space<hbm>>
          tpu.enqueue_dma source(%dma_start3A_111 : memref<128xi32, #tpu.memory_space<hbm>>) target(%arg8 : memref<128xi32, #tpu.memory_space<vmem>>) target_semaphore(%run_scoped3A_105 : memref<!tpu.dma_semaphore, #tpu.memory_space<semaphore_mem>>)
          %dma_wait3A_112 = arith.constant 0 : i32
          %dma_wait3A_113 = tpu.memref_slice %arg3[%run_scoped3A_38, %add3A_35, %dma_wait3A_112] : memref<4x2500x128xi32, #tpu.memory_space<hbm>> -> memref<1x1x128xi32, #tpu.memory_space<hbm>>
          %dma_wait3A_114 = tpu.memref_squeeze %dma_wait3A_113 : memref<1x1x128xi32, #tpu.memory_space<hbm>> -> memref<128xi32, #tpu.memory_space<hbm>>
          %dma_wait3A_115 = arith.constant 0 : i32
          %dma_wait3A_116 = tpu.memref_slice %arg3[%run_scoped3A_38, %add3A_35, %dma_wait3A_115] : memref<4x2500x128xi32, #tpu.memory_space<hbm>> -> memref<1x1x128xi32, #tpu.memory_space<hbm>>
          %dma_wait3A_117 = tpu.memref_squeeze %dma_wait3A_116 : memref<1x1x128xi32, #tpu.memory_space<hbm>> -> memref<128xi32, #tpu.memory_space<hbm>>
          tpu.wait_dma2 semaphore(%run_scoped3A_105 : memref<!tpu.dma_semaphore, #tpu.memory_space<semaphore_mem>>) src(%dma_wait3A_117 : memref<128xi32, #tpu.memory_space<hbm>>) dst(%arg8 : memref<128xi32, #tpu.memory_space<vmem>>)
          tpu.yield
        }) : () -> ()
        %run_scoped3A_39 = arith.constant 1 : i32
        "tpu.region"() ({
          %run_scoped3A_105 = tpu.sem_alloc : memref<!tpu.dma_semaphore, #tpu.memory_space<semaphore_mem>>
          %dma_start3A_106 = arith.constant 0 : i32
          %dma_start3A_107 = tpu.memref_slice %arg3[%run_scoped3A_39, %add3A_35, %dma_start3A_106] : memref<4x2500x128xi32, #tpu.memory_space<hbm>> -> memref<1x1x128xi32, #tpu.memory_space<hbm>>
          %dma_start3A_108 = tpu.memref_squeeze %dma_start3A_107 : memref<1x1x128xi32, #tpu.memory_space<hbm>> -> memref<128xi32, #tpu.memory_space<hbm>>
          %dma_start3A_109 = arith.constant 0 : i32
          %dma_start3A_110 = tpu.memref_slice %arg3[%run_scoped3A_39, %add3A_35, %dma_start3A_109] : memref<4x2500x128xi32, #tpu.memory_space<hbm>> -> memref<1x1x128xi32, #tpu.memory_space<hbm>>
          %dma_start3A_111 = tpu.memref_squeeze %dma_start3A_110 : memref<1x1x128xi32, #tpu.memory_space<hbm>> -> memref<128xi32, #tpu.memory_space<hbm>>
          tpu.enqueue_dma source(%dma_start3A_111 : memref<128xi32, #tpu.memory_space<hbm>>) target(%arg10 : memref<128xi32, #tpu.memory_space<vmem>>) target_semaphore(%run_scoped3A_105 : memref<!tpu.dma_semaphore, #tpu.memory_space<semaphore_mem>>)
          %dma_wait3A_112 = arith.constant 0 : i32
          %dma_wait3A_113 = tpu.memref_slice %arg3[%run_scoped3A_39, %add3A_35, %dma_wait3A_112] : memref<4x2500x128xi32, #tpu.memory_space<hbm>> -> memref<1x1x128xi32, #tpu.memory_space<hbm>>
          %dma_wait3A_114 = tpu.memref_squeeze %dma_wait3A_113 : memref<1x1x128xi32, #tpu.memory_space<hbm>> -> memref<128xi32, #tpu.memory_space<hbm>>
          %dma_wait3A_115 = arith.constant 0 : i32
          %dma_wait3A_116 = tpu.memref_slice %arg3[%run_scoped3A_39, %add3A_35, %dma_wait3A_115] : memref<4x2500x128xi32, #tpu.memory_space<hbm>> -> memref<1x1x128xi32, #tpu.memory_space<hbm>>
          %dma_wait3A_117 = tpu.memref_squeeze %dma_wait3A_116 : memref<1x1x128xi32, #tpu.memory_space<hbm>> -> memref<128xi32, #tpu.memory_space<hbm>>
          tpu.wait_dma2 semaphore(%run_scoped3A_105 : memref<!tpu.dma_semaphore, #tpu.memory_space<semaphore_mem>>) src(%dma_wait3A_117 : memref<128xi32, #tpu.memory_space<hbm>>) dst(%arg10 : memref<128xi32, #tpu.memory_space<vmem>>)
          tpu.yield
        }) : () -> ()
        %get3A = arith.constant 0 : index
        %get3A_40 = tpu.vector_load %arg8[%get3A] {strides = array<i32>} : memref<128xi32, #tpu.memory_space<vmem>>, vector<16xi32>,
        %gather3A = tpu.vector_load_idx %arg7[%get3A_40] : memref<10000xi32, #tpu.memory_space<vmem>>[vector<16xi32>], vector<16xi32>,
        %add3A_41 = arith.constant 0 : i32
        %add3A_42 = vector.broadcast %add3A_41 : i32 to vector<16xi32>
        %add3A_43 = arith.addi %gather3A, %add3A_42 : vector<16xi32>
        %swap3A = arith.constant 0 : index
        %swap3A_44 = tpu.vector_load %arg9[%swap3A] {strides = array<i32>} : memref<128xi32, #tpu.memory_space<vmem>>, vector<16xi32>,
        tpu.vector_store %arg9[%swap3A], %add3A_43 {strides = array<i32>} : memref<128xi32, #tpu.memory_space<vmem>>, vector<16xi32>,
        %get3A_45 = arith.constant 16 : index
        %get3A_46 = tpu.vector_load %arg8[%get3A_45] {strides = array<i32>} : memref<128xi32, #tpu.memory_space<vmem>>, vector<16xi32>,
        %gather3A_47 = tpu.vector_load_idx %arg7[%get3A_46] : memref<10000xi32, #tpu.memory_space<vmem>>[vector<16xi32>], vector<16xi32>,
        %add3A_48 = arith.constant 0 : i32
        %add3A_49 = vector.broadcast %add3A_48 : i32 to vector<16xi32>
        %add3A_50 = arith.addi %gather3A_47, %add3A_49 : vector<16xi32>
        %swap3A_51 = arith.constant 16 : index
        %swap3A_52 = tpu.vector_load %arg9[%swap3A_51] {strides = array<i32>} : memref<128xi32, #tpu.memory_space<vmem>>, vector<16xi32>,
        tpu.vector_store %arg9[%swap3A_51], %add3A_50 {strides = array<i32>} : memref<128xi32, #tpu.memory_space<vmem>>, vector<16xi32>,
        %get3A_53 = arith.constant 32 : index
        %get3A_54 = tpu.vector_load %arg8[%get3A_53] {strides = array<i32>} : memref<128xi32, #tpu.memory_space<vmem>>, vector<16xi32>,
        %gather3A_55 = tpu.vector_load_idx %arg7[%get3A_54] : memref<10000xi32, #tpu.memory_space<vmem>>[vector<16xi32>], vector<16xi32>,
        %add3A_56 = arith.constant 0 : i32
        %add3A_57 = vector.broadcast %add3A_56 : i32 to vector<16xi32>
        %add3A_58 = arith.addi %gather3A_55, %add3A_57 : vector<16xi32>
        %swap3A_59 = arith.constant 32 : index
        %swap3A_60 = tpu.vector_load %arg9[%swap3A_59] {strides = array<i32>} : memref<128xi32, #tpu.memory_space<vmem>>, vector<16xi32>,
        tpu.vector_store %arg9[%swap3A_59], %add3A_58 {strides = array<i32>} : memref<128xi32, #tpu.memory_space<vmem>>, vector<16xi32>,
        %get3A_61 = arith.constant 48 : index
        %get3A_62 = tpu.vector_load %arg8[%get3A_61] {strides = array<i32>} : memref<128xi32, #tpu.memory_space<vmem>>, vector<16xi32>,
        %gather3A_63 = tpu.vector_load_idx %arg7[%get3A_62] : memref<10000xi32, #tpu.memory_space<vmem>>[vector<16xi32>], vector<16xi32>,
        %add3A_64 = arith.constant 0 : i32
        %add3A_65 = vector.broadcast %add3A_64 : i32 to vector<16xi32>
        %add3A_66 = arith.addi %gather3A_63, %add3A_65 : vector<16xi32>
        %swap3A_67 = arith.constant 48 : index
        %swap3A_68 = tpu.vector_load %arg9[%swap3A_67] {strides = array<i32>} : memref<128xi32, #tpu.memory_space<vmem>>, vector<16xi32>,
        tpu.vector_store %arg9[%swap3A_67], %add3A_66 {strides = array<i32>} : memref<128xi32, #tpu.memory_space<vmem>>, vector<16xi32>,
        %get3A_69 = arith.constant 64 : index
        %get3A_70 = tpu.vector_load %arg8[%get3A_69] {strides = array<i32>} : memref<128xi32, #tpu.memory_space<vmem>>, vector<16xi32>,
        %gather3A_71 = tpu.vector_load_idx %arg7[%get3A_70] : memref<10000xi32, #tpu.memory_space<vmem>>[vector<16xi32>], vector<16xi32>,
        %add3A_72 = arith.constant 0 : i32
        %add3A_73 = vector.broadcast %add3A_72 : i32 to vector<16xi32>
        %add3A_74 = arith.addi %gather3A_71, %add3A_73 : vector<16xi32>
        %swap3A_75 = arith.constant 64 : index
        %swap3A_76 = tpu.vector_load %arg9[%swap3A_75] {strides = array<i32>} : memref<128xi32, #tpu.memory_space<vmem>>, vector<16xi32>,
        tpu.vector_store %arg9[%swap3A_75], %add3A_74 {strides = array<i32>} : memref<128xi32, #tpu.memory_space<vmem>>, vector<16xi32>,
        %get3A_77 = arith.constant 80 : index
        %get3A_78 = tpu.vector_load %arg8[%get3A_77] {strides = array<i32>} : memref<128xi32, #tpu.memory_space<vmem>>, vector<16xi32>,
        %gather3A_79 = tpu.vector_load_idx %arg7[%get3A_78] : memref<10000xi32, #tpu.memory_space<vmem>>[vector<16xi32>], vector<16xi32>,
        %add3A_80 = arith.constant 0 : i32
        %add3A_81 = vector.broadcast %add3A_80 : i32 to vector<16xi32>
        %add3A_82 = arith.addi %gather3A_79, %add3A_81 : vector<16xi32>
        %swap3A_83 = arith.constant 80 : index
        %swap3A_84 = tpu.vector_load %arg9[%swap3A_83] {strides = array<i32>} : memref<128xi32, #tpu.memory_space<vmem>>, vector<16xi32>,
        tpu.vector_store %arg9[%swap3A_83], %add3A_82 {strides = array<i32>} : memref<128xi32, #tpu.memory_space<vmem>>, vector<16xi32>,
        %get3A_85 = arith.constant 96 : index
        %get3A_86 = tpu.vector_load %arg8[%get3A_85] {strides = array<i32>} : memref<128xi32, #tpu.memory_space<vmem>>, vector<16xi32>,
        %gather3A_87 = tpu.vector_load_idx %arg7[%get3A_86] : memref<10000xi32, #tpu.memory_space<vmem>>[vector<16xi32>], vector<16xi32>,
        %add3A_88 = arith.constant 0 : i32
        %add3A_89 = vector.broadcast %add3A_88 : i32 to vector<16xi32>
        %add3A_90 = arith.addi %gather3A_87, %add3A_89 : vector<16xi32>
        %swap3A_91 = arith.constant 96 : index
        %swap3A_92 = tpu.vector_load %arg9[%swap3A_91] {strides = array<i32>} : memref<128xi32, #tpu.memory_space<vmem>>, vector<16xi32>,
        tpu.vector_store %arg9[%swap3A_91], %add3A_90 {strides = array<i32>} : memref<128xi32, #tpu.memory_space<vmem>>, vector<16xi32>,
        %get3A_93 = arith.constant 112 : index
        %get3A_94 = tpu.vector_load %arg8[%get3A_93] {strides = array<i32>} : memref<128xi32, #tpu.memory_space<vmem>>, vector<16xi32>,
        %gather3A_95 = tpu.vector_load_idx %arg7[%get3A_94] : memref<10000xi32, #tpu.memory_space<vmem>>[vector<16xi32>], vector<16xi32>,
        %add3A_96 = arith.constant 0 : i32
        %add3A_97 = vector.broadcast %add3A_96 : i32 to vector<16xi32>
        %add3A_98 = arith.addi %gather3A_95, %add3A_97 : vector<16xi32>
        %swap3A_99 = arith.constant 112 : index
        %swap3A_100 = tpu.vector_load %arg9[%swap3A_99] {strides = array<i32>} : memref<128xi32, #tpu.memory_space<vmem>>, vector<16xi32>,
        tpu.vector_store %arg9[%swap3A_99], %add3A_98 {strides = array<i32>} : memref<128xi32, #tpu.memory_space<vmem>>, vector<16xi32>,
        %dma_start3A = arith.constant 0 : i32
        %dma_start3A_101 = arith.constant 0 : i32
        %dma_start3A_102 = tpu.memref_slice %arg4[%dma_start3A, %dma_start3A_101] : memref<20000x144xf32, #tpu.memory_space<hbm>> -> memref<20000x144xf32, #tpu.memory_space<hbm>>
        tpu.enqueue_indirect_dma source(%dma_start3A_102 : memref<20000x144xf32, #tpu.memory_space<hbm>>) target(%arg11 : memref<128x144xf32, #tpu.memory_space<vmem>>) offsets(%arg9 : memref<128xi32, #tpu.memory_space<vmem>>) semaphore(%arg13 : memref<!tpu.dma_semaphore, #tpu.memory_space<semaphore_mem>>)
        %dma_wait3A = arith.constant 0 : i32
        %dma_wait3A_103 = arith.constant 0 : i32
        %dma_wait3A_104 = tpu.memref_slice %arg4[%dma_wait3A, %dma_wait3A_103] : memref<20000x144xf32, #tpu.memory_space<hbm>> -> memref<20000x144xf32, #tpu.memory_space<hbm>>
        tpu.wait_indirect_dma semaphore(%arg13 : memref<!tpu.dma_semaphore, #tpu.memory_space<semaphore_mem>>) src(%dma_wait3A_104 : memref<20000x144xf32, #tpu.memory_space<hbm>>) dst(%arg11 : memref<128x144xf32, #tpu.memory_space<vmem>>)
        "tpu.region"() ({
          %run_scoped3A_105 = tpu.sem_alloc : memref<!tpu.dma_semaphore, #tpu.memory_space<semaphore_mem>>
          %dma_start3A_106 = arith.constant 0 : i32
          %dma_start3A_107 = arith.constant 0 : i32
          %dma_start3A_108 = tpu.memref_slice %arg12[%dma_start3A_106, %dma_start3A_107] : memref<10240x144xf32, #tpu.memory_space<vmem_shared>> -> memref<10240x144xf32, #tpu.memory_space<vmem_shared>>
          tpu.enqueue_indirect_dma source(%arg11 : memref<128x144xf32, #tpu.memory_space<vmem>>) target(%dma_start3A_108 : memref<10240x144xf32, #tpu.memory_space<vmem_shared>>) offsets(%arg10 : memref<128xi32, #tpu.memory_space<vmem>>) semaphore(%run_scoped3A_105 : memref<!tpu.dma_semaphore, #tpu.memory_space<semaphore_mem>>) {add = true}
          %dma_wait3A_109 = arith.constant 0 : i32
          %dma_wait3A_110 = arith.constant 0 : i32
          %dma_wait3A_111 = tpu.memref_slice %arg12[%dma_wait3A_109, %dma_wait3A_110] : memref<10240x144xf32, #tpu.memory_space<vmem_shared>> -> memref<10240x144xf32, #tpu.memory_space<vmem_shared>>
          tpu.wait_indirect_dma semaphore(%run_scoped3A_105 : memref<!tpu.dma_semaphore, #tpu.memory_space<semaphore_mem>>) src(%arg11 : memref<128x144xf32, #tpu.memory_space<vmem>>) dst(%dma_wait3A_111 : memref<10240x144xf32, #tpu.memory_space<vmem_shared>>)
          tpu.yield
        }) : () -> ()
      } else {
      }
    }
    %scan3A_7 = arith.constant 79 : i32
    %barrier3A_8 = arith.constant 0 : index
    tpu.barrier barrier_id(%barrier3A_8)
    %add3A_9 = arith.constant 0 : i32
    %add3A_10 = arith.addi %add3A_9, %arg0 : i32
    %mul3A_11 = arith.constant 640 : i32
    %mul3A_12 = arith.muli %arg1, %mul3A_11 : i32
    %mul3A_13 = arith.constant 640 : i32
    %mul3A_14 = arith.muli %arg1, %mul3A_13 : i32
    "tpu.region"() ({
      %run_scoped3A_32 = tpu.sem_alloc : memref<!tpu.dma_semaphore, #tpu.memory_space<semaphore_mem>>
      %dma_start3A = arith.constant 0 : i32
      %dma_start3A_33 = tpu.memref_slice %arg6[%add3A_10, %mul3A_14, %dma_start3A] : memref<4x10240x144xf32, #tpu.memory_space<hbm>> -> memref<1x640x144xf32, #tpu.memory_space<hbm>>
      %dma_start3A_34 = tpu.memref_squeeze %dma_start3A_33 : memref<1x640x144xf32, #tpu.memory_space<hbm>> -> memref<640x144xf32, #tpu.memory_space<hbm>>
      %dma_start3A_35 = arith.constant 0 : i32
      %dma_start3A_36 = tpu.memref_slice %arg12[%mul3A_12, %dma_start3A_35] : memref<10240x144xf32, #tpu.memory_space<vmem_shared>> -> memref<640x144xf32, #tpu.memory_space<vmem_shared>>
      tpu.enqueue_dma source(%dma_start3A_36 : memref<640x144xf32, #tpu.memory_space<vmem_shared>>) target(%dma_start3A_34 : memref<640x144xf32, #tpu.memory_space<hbm>>) target_semaphore(%run_scoped3A_32 : memref<!tpu.dma_semaphore, #tpu.memory_space<semaphore_mem>>)
      %dma_wait3A = arith.constant 0 : i32
      %dma_wait3A_37 = tpu.memref_slice %arg6[%add3A_10, %mul3A_14, %dma_wait3A] : memref<4x10240x144xf32, #tpu.memory_space<hbm>> -> memref<1x640x144xf32, #tpu.memory_space<hbm>>
      %dma_wait3A_38 = tpu.memref_squeeze %dma_wait3A_37 : memref<1x640x144xf32, #tpu.memory_space<hbm>> -> memref<640x144xf32, #tpu.memory_space<hbm>>
      %dma_wait3A_39 = arith.constant 0 : i32
      %dma_wait3A_40 = tpu.memref_slice %arg12[%mul3A_12, %dma_wait3A_39] : memref<10240x144xf32, #tpu.memory_space<vmem_shared>> -> memref<640x144xf32, #tpu.memory_space<vmem_shared>>
      tpu.wait_dma2 semaphore(%run_scoped3A_32 : memref<!tpu.dma_semaphore, #tpu.memory_space<semaphore_mem>>) src(%dma_wait3A_40 : memref<640x144xf32, #tpu.memory_space<vmem_shared>>) dst(%dma_wait3A_38 : memref<640x144xf32, #tpu.memory_space<hbm>>)
      tpu.yield
    }) : () -> ()
    %mul3A_15 = arith.constant 640 : i32
    %mul3A_16 = arith.muli %arg1, %mul3A_15 : i32
    "tpu.region"() ({
      %run_scoped3A_32 = tpu.sem_alloc : memref<!tpu.dma_semaphore, #tpu.memory_space<semaphore_mem>>
      %dma_start3A = arith.constant 0 : i32
      %dma_start3A_33 = tpu.memref_slice %arg12[%mul3A_16, %dma_start3A] : memref<10240x144xf32, #tpu.memory_space<vmem_shared>> -> memref<640x144xf32, #tpu.memory_space<vmem_shared>>
      tpu.enqueue_dma source(%arg5 : memref<640x144xf32, #tpu.memory_space<hbm>>) target(%dma_start3A_33 : memref<640x144xf32, #tpu.memory_space<vmem_shared>>) target_semaphore(%run_scoped3A_32 : memref<!tpu.dma_semaphore, #tpu.memory_space<semaphore_mem>>)
      %dma_wait3A = arith.constant 0 : i32
      %dma_wait3A_34 = tpu.memref_slice %arg12[%mul3A_16, %dma_wait3A] : memref<10240x144xf32, #tpu.memory_space<vmem_shared>> -> memref<640x144xf32, #tpu.memory_space<vmem_shared>>
      tpu.wait_dma2 semaphore(%run_scoped3A_32 : memref<!tpu.dma_semaphore, #tpu.memory_space<semaphore_mem>>) src(%arg5 : memref<640x144xf32, #tpu.memory_space<hbm>>) dst(%dma_wait3A_34 : memref<640x144xf32, #tpu.memory_space<vmem_shared>>)
      tpu.yield
    }) : () -> ()
    %run_scoped3A_17 = arith.constant 1 : i32
    "tpu.region"() ({
      %run_scoped3A_32 = tpu.sem_alloc : memref<!tpu.dma_semaphore, #tpu.memory_space<semaphore_mem>>
      %dma_start3A = arith.constant 0 : i32
      %dma_start3A_33 = tpu.memref_slice %arg2[%run_scoped3A_17, %dma_start3A] : memref<2x10000xi32, #tpu.memory_space<hbm>> -> memref<1x10000xi32, #tpu.memory_space<hbm>>
      %dma_start3A_34 = tpu.memref_squeeze %dma_start3A_33 : memref<1x10000xi32, #tpu.memory_space<hbm>> -> memref<10000xi32, #tpu.memory_space<hbm>>
      %dma_start3A_35 = arith.constant 0 : i32
      %dma_start3A_36 = tpu.memref_slice %arg2[%run_scoped3A_17, %dma_start3A_35] : memref<2x10000xi32, #tpu.memory_space<hbm>> -> memref<1x10000xi32, #tpu.memory_space<hbm>>
      %dma_start3A_37 = tpu.memref_squeeze %dma_start3A_36 : memref<1x10000xi32, #tpu.memory_space<hbm>> -> memref<10000xi32, #tpu.memory_space<hbm>>
      tpu.enqueue_dma source(%dma_start3A_37 : memref<10000xi32, #tpu.memory_space<hbm>>) target(%arg7 : memref<10000xi32, #tpu.memory_space<vmem>>) target_semaphore(%run_scoped3A_32 : memref<!tpu.dma_semaphore, #tpu.memory_space<semaphore_mem>>)
      %dma_wait3A = arith.constant 0 : i32
      %dma_wait3A_38 = tpu.memref_slice %arg2[%run_scoped3A_17, %dma_wait3A] : memref<2x10000xi32, #tpu.memory_space<hbm>> -> memref<1x10000xi32, #tpu.memory_space<hbm>>
      %dma_wait3A_39 = tpu.memref_squeeze %dma_wait3A_38 : memref<1x10000xi32, #tpu.memory_space<hbm>> -> memref<10000xi32, #tpu.memory_space<hbm>>
      %dma_wait3A_40 = arith.constant 0 : i32
      %dma_wait3A_41 = tpu.memref_slice %arg2[%run_scoped3A_17, %dma_wait3A_40] : memref<2x10000xi32, #tpu.memory_space<hbm>> -> memref<1x10000xi32, #tpu.memory_space<hbm>>
      %dma_wait3A_42 = tpu.memref_squeeze %dma_wait3A_41 : memref<1x10000xi32, #tpu.memory_space<hbm>> -> memref<10000xi32, #tpu.memory_space<hbm>>
      tpu.wait_dma2 semaphore(%run_scoped3A_32 : memref<!tpu.dma_semaphore, #tpu.memory_space<semaphore_mem>>) src(%dma_wait3A_42 : memref<10000xi32, #tpu.memory_space<hbm>>) dst(%arg7 : memref<10000xi32, #tpu.memory_space<vmem>>)
      tpu.yield
    }) : () -> ()
    %barrier3A_18 = arith.constant 0 : index
    tpu.barrier barrier_id(%barrier3A_18)
    %scan3A_19 = arith.constant 0 : i32
    %scan3A_20 = arith.constant 0 : i32
    %scan3A_21 = arith.constant 79 : i32
    %scan3A_22 = arith.addi %scan3A_20, %scan3A_21 : i32
    %scan3A_23 = arith.constant 1 : i32
    scf.for %scan3A_32 = %scan3A_20 to %scan3A_22 step %scan3A_23  : i32 {
      %mul3A_33 = arith.constant 32 : i32
      %mul3A_34 = arith.muli %mul3A_33, %scan3A_32 : i32
      %add3A_35 = arith.addi %add3A, %mul3A_34 : i32
      %lt3A = arith.constant 2500 : i32
      %lt3A_36 = arith.cmpi slt, %add3A_35, %lt3A : i32
      %convert_element_type3A = arith.extui %lt3A_36 : i1 to i32
      %cond3A = arith.constant 0 : i32
      %cond3A_37 = arith.cmpi ne, %convert_element_type3A, %cond3A : i32
      scf.if %cond3A_37 {
        %run_scoped3A_38 = arith.constant 2 : i32
        "tpu.region"() ({
          %run_scoped3A_105 = tpu.sem_alloc : memref<!tpu.dma_semaphore, #tpu.memory_space<semaphore_mem>>
          %dma_start3A_106 = arith.constant 0 : i32
          %dma_start3A_107 = tpu.memref_slice %arg3[%run_scoped3A_38, %add3A_35, %dma_start3A_106] : memref<4x2500x128xi32, #tpu.memory_space<hbm>> -> memref<1x1x128xi32, #tpu.memory_space<hbm>>
          %dma_start3A_108 = tpu.memref_squeeze %dma_start3A_107 : memref<1x1x128xi32, #tpu.memory_space<hbm>> -> memref<128xi32, #tpu.memory_space<hbm>>
          %dma_start3A_109 = arith.constant 0 : i32
          %dma_start3A_110 = tpu.memref_slice %arg3[%run_scoped3A_38, %add3A_35, %dma_start3A_109] : memref<4x2500x128xi32, #tpu.memory_space<hbm>> -> memref<1x1x128xi32, #tpu.memory_space<hbm>>
          %dma_start3A_111 = tpu.memref_squeeze %dma_start3A_110 : memref<1x1x128xi32, #tpu.memory_space<hbm>> -> memref<128xi32, #tpu.memory_space<hbm>>
          tpu.enqueue_dma source(%dma_start3A_111 : memref<128xi32, #tpu.memory_space<hbm>>) target(%arg8 : memref<128xi32, #tpu.memory_space<vmem>>) target_semaphore(%run_scoped3A_105 : memref<!tpu.dma_semaphore, #tpu.memory_space<semaphore_mem>>)
          %dma_wait3A_112 = arith.constant 0 : i32
          %dma_wait3A_113 = tpu.memref_slice %arg3[%run_scoped3A_38, %add3A_35, %dma_wait3A_112] : memref<4x2500x128xi32, #tpu.memory_space<hbm>> -> memref<1x1x128xi32, #tpu.memory_space<hbm>>
          %dma_wait3A_114 = tpu.memref_squeeze %dma_wait3A_113 : memref<1x1x128xi32, #tpu.memory_space<hbm>> -> memref<128xi32, #tpu.memory_space<hbm>>
          %dma_wait3A_115 = arith.constant 0 : i32
          %dma_wait3A_116 = tpu.memref_slice %arg3[%run_scoped3A_38, %add3A_35, %dma_wait3A_115] : memref<4x2500x128xi32, #tpu.memory_space<hbm>> -> memref<1x1x128xi32, #tpu.memory_space<hbm>>
          %dma_wait3A_117 = tpu.memref_squeeze %dma_wait3A_116 : memref<1x1x128xi32, #tpu.memory_space<hbm>> -> memref<128xi32, #tpu.memory_space<hbm>>
          tpu.wait_dma2 semaphore(%run_scoped3A_105 : memref<!tpu.dma_semaphore, #tpu.memory_space<semaphore_mem>>) src(%dma_wait3A_117 : memref<128xi32, #tpu.memory_space<hbm>>) dst(%arg8 : memref<128xi32, #tpu.memory_space<vmem>>)
          tpu.yield
        }) : () -> ()
        %run_scoped3A_39 = arith.constant 3 : i32
        "tpu.region"() ({
          %run_scoped3A_105 = tpu.sem_alloc : memref<!tpu.dma_semaphore, #tpu.memory_space<semaphore_mem>>
          %dma_start3A_106 = arith.constant 0 : i32
          %dma_start3A_107 = tpu.memref_slice %arg3[%run_scoped3A_39, %add3A_35, %dma_start3A_106] : memref<4x2500x128xi32, #tpu.memory_space<hbm>> -> memref<1x1x128xi32, #tpu.memory_space<hbm>>
          %dma_start3A_108 = tpu.memref_squeeze %dma_start3A_107 : memref<1x1x128xi32, #tpu.memory_space<hbm>> -> memref<128xi32, #tpu.memory_space<hbm>>
          %dma_start3A_109 = arith.constant 0 : i32
          %dma_start3A_110 = tpu.memref_slice %arg3[%run_scoped3A_39, %add3A_35, %dma_start3A_109] : memref<4x2500x128xi32, #tpu.memory_space<hbm>> -> memref<1x1x128xi32, #tpu.memory_space<hbm>>
          %dma_start3A_111 = tpu.memref_squeeze %dma_start3A_110 : memref<1x1x128xi32, #tpu.memory_space<hbm>> -> memref<128xi32, #tpu.memory_space<hbm>>
          tpu.enqueue_dma source(%dma_start3A_111 : memref<128xi32, #tpu.memory_space<hbm>>) target(%arg10 : memref<128xi32, #tpu.memory_space<vmem>>) target_semaphore(%run_scoped3A_105 : memref<!tpu.dma_semaphore, #tpu.memory_space<semaphore_mem>>)
          %dma_wait3A_112 = arith.constant 0 : i32
          %dma_wait3A_113 = tpu.memref_slice %arg3[%run_scoped3A_39, %add3A_35, %dma_wait3A_112] : memref<4x2500x128xi32, #tpu.memory_space<hbm>> -> memref<1x1x128xi32, #tpu.memory_space<hbm>>
          %dma_wait3A_114 = tpu.memref_squeeze %dma_wait3A_113 : memref<1x1x128xi32, #tpu.memory_space<hbm>> -> memref<128xi32, #tpu.memory_space<hbm>>
          %dma_wait3A_115 = arith.constant 0 : i32
          %dma_wait3A_116 = tpu.memref_slice %arg3[%run_scoped3A_39, %add3A_35, %dma_wait3A_115] : memref<4x2500x128xi32, #tpu.memory_space<hbm>> -> memref<1x1x128xi32, #tpu.memory_space<hbm>>
          %dma_wait3A_117 = tpu.memref_squeeze %dma_wait3A_116 : memref<1x1x128xi32, #tpu.memory_space<hbm>> -> memref<128xi32, #tpu.memory_space<hbm>>
          tpu.wait_dma2 semaphore(%run_scoped3A_105 : memref<!tpu.dma_semaphore, #tpu.memory_space<semaphore_mem>>) src(%dma_wait3A_117 : memref<128xi32, #tpu.memory_space<hbm>>) dst(%arg10 : memref<128xi32, #tpu.memory_space<vmem>>)
          tpu.yield
        }) : () -> ()
        %get3A = arith.constant 0 : index
        %get3A_40 = tpu.vector_load %arg8[%get3A] {strides = array<i32>} : memref<128xi32, #tpu.memory_space<vmem>>, vector<16xi32>,
        %gather3A = tpu.vector_load_idx %arg7[%get3A_40] : memref<10000xi32, #tpu.memory_space<vmem>>[vector<16xi32>], vector<16xi32>,
        %add3A_41 = arith.constant 10000 : i32
        %add3A_42 = vector.broadcast %add3A_41 : i32 to vector<16xi32>
        %add3A_43 = arith.addi %gather3A, %add3A_42 : vector<16xi32>
        %swap3A = arith.constant 0 : index
        %swap3A_44 = tpu.vector_load %arg9[%swap3A] {strides = array<i32>} : memref<128xi32, #tpu.memory_space<vmem>>, vector<16xi32>,
        tpu.vector_store %arg9[%swap3A], %add3A_43 {strides = array<i32>} : memref<128xi32, #tpu.memory_space<vmem>>, vector<16xi32>,
        %get3A_45 = arith.constant 16 : index
        %get3A_46 = tpu.vector_load %arg8[%get3A_45] {strides = array<i32>} : memref<128xi32, #tpu.memory_space<vmem>>, vector<16xi32>,
        %gather3A_47 = tpu.vector_load_idx %arg7[%get3A_46] : memref<10000xi32, #tpu.memory_space<vmem>>[vector<16xi32>], vector<16xi32>,
        %add3A_48 = arith.constant 10000 : i32
        %add3A_49 = vector.broadcast %add3A_48 : i32 to vector<16xi32>
        %add3A_50 = arith.addi %gather3A_47, %add3A_49 : vector<16xi32>
        %swap3A_51 = arith.constant 16 : index
        %swap3A_52 = tpu.vector_load %arg9[%swap3A_51] {strides = array<i32>} : memref<128xi32, #tpu.memory_space<vmem>>, vector<16xi32>,
        tpu.vector_store %arg9[%swap3A_51], %add3A_50 {strides = array<i32>} : memref<128xi32, #tpu.memory_space<vmem>>, vector<16xi32>,
        %get3A_53 = arith.constant 32 : index
        %get3A_54 = tpu.vector_load %arg8[%get3A_53] {strides = array<i32>} : memref<128xi32, #tpu.memory_space<vmem>>, vector<16xi32>,
        %gather3A_55 = tpu.vector_load_idx %arg7[%get3A_54] : memref<10000xi32, #tpu.memory_space<vmem>>[vector<16xi32>], vector<16xi32>,
        %add3A_56 = arith.constant 10000 : i32
        %add3A_57 = vector.broadcast %add3A_56 : i32 to vector<16xi32>
        %add3A_58 = arith.addi %gather3A_55, %add3A_57 : vector<16xi32>
        %swap3A_59 = arith.constant 32 : index
        %swap3A_60 = tpu.vector_load %arg9[%swap3A_59] {strides = array<i32>} : memref<128xi32, #tpu.memory_space<vmem>>, vector<16xi32>,
        tpu.vector_store %arg9[%swap3A_59], %add3A_58 {strides = array<i32>} : memref<128xi32, #tpu.memory_space<vmem>>, vector<16xi32>,
        %get3A_61 = arith.constant 48 : index
        %get3A_62 = tpu.vector_load %arg8[%get3A_61] {strides = array<i32>} : memref<128xi32, #tpu.memory_space<vmem>>, vector<16xi32>,
        %gather3A_63 = tpu.vector_load_idx %arg7[%get3A_62] : memref<10000xi32, #tpu.memory_space<vmem>>[vector<16xi32>], vector<16xi32>,
        %add3A_64 = arith.constant 10000 : i32
        %add3A_65 = vector.broadcast %add3A_64 : i32 to vector<16xi32>
        %add3A_66 = arith.addi %gather3A_63, %add3A_65 : vector<16xi32>
        %swap3A_67 = arith.constant 48 : index
        %swap3A_68 = tpu.vector_load %arg9[%swap3A_67] {strides = array<i32>} : memref<128xi32, #tpu.memory_space<vmem>>, vector<16xi32>,
        tpu.vector_store %arg9[%swap3A_67], %add3A_66 {strides = array<i32>} : memref<128xi32, #tpu.memory_space<vmem>>, vector<16xi32>,
        %get3A_69 = arith.constant 64 : index
        %get3A_70 = tpu.vector_load %arg8[%get3A_69] {strides = array<i32>} : memref<128xi32, #tpu.memory_space<vmem>>, vector<16xi32>,
        %gather3A_71 = tpu.vector_load_idx %arg7[%get3A_70] : memref<10000xi32, #tpu.memory_space<vmem>>[vector<16xi32>], vector<16xi32>,
        %add3A_72 = arith.constant 10000 : i32
        %add3A_73 = vector.broadcast %add3A_72 : i32 to vector<16xi32>
        %add3A_74 = arith.addi %gather3A_71, %add3A_73 : vector<16xi32>
        %swap3A_75 = arith.constant 64 : index
        %swap3A_76 = tpu.vector_load %arg9[%swap3A_75] {strides = array<i32>} : memref<128xi32, #tpu.memory_space<vmem>>, vector<16xi32>,
        tpu.vector_store %arg9[%swap3A_75], %add3A_74 {strides = array<i32>} : memref<128xi32, #tpu.memory_space<vmem>>, vector<16xi32>,
        %get3A_77 = arith.constant 80 : index
        %get3A_78 = tpu.vector_load %arg8[%get3A_77] {strides = array<i32>} : memref<128xi32, #tpu.memory_space<vmem>>, vector<16xi32>,
        %gather3A_79 = tpu.vector_load_idx %arg7[%get3A_78] : memref<10000xi32, #tpu.memory_space<vmem>>[vector<16xi32>], vector<16xi32>,
        %add3A_80 = arith.constant 10000 : i32
        %add3A_81 = vector.broadcast %add3A_80 : i32 to vector<16xi32>
        %add3A_82 = arith.addi %gather3A_79, %add3A_81 : vector<16xi32>
        %swap3A_83 = arith.constant 80 : index
        %swap3A_84 = tpu.vector_load %arg9[%swap3A_83] {strides = array<i32>} : memref<128xi32, #tpu.memory_space<vmem>>, vector<16xi32>,
        tpu.vector_store %arg9[%swap3A_83], %add3A_82 {strides = array<i32>} : memref<128xi32, #tpu.memory_space<vmem>>, vector<16xi32>,
        %get3A_85 = arith.constant 96 : index
        %get3A_86 = tpu.vector_load %arg8[%get3A_85] {strides = array<i32>} : memref<128xi32, #tpu.memory_space<vmem>>, vector<16xi32>,
        %gather3A_87 = tpu.vector_load_idx %arg7[%get3A_86] : memref<10000xi32, #tpu.memory_space<vmem>>[vector<16xi32>], vector<16xi32>,
        %add3A_88 = arith.constant 10000 : i32
        %add3A_89 = vector.broadcast %add3A_88 : i32 to vector<16xi32>
        %add3A_90 = arith.addi %gather3A_87, %add3A_89 : vector<16xi32>
        %swap3A_91 = arith.constant 96 : index
        %swap3A_92 = tpu.vector_load %arg9[%swap3A_91] {strides = array<i32>} : memref<128xi32, #tpu.memory_space<vmem>>, vector<16xi32>,
        tpu.vector_store %arg9[%swap3A_91], %add3A_90 {strides = array<i32>} : memref<128xi32, #tpu.memory_space<vmem>>, vector<16xi32>,
        %get3A_93 = arith.constant 112 : index
        %get3A_94 = tpu.vector_load %arg8[%get3A_93] {strides = array<i32>} : memref<128xi32, #tpu.memory_space<vmem>>, vector<16xi32>,
        %gather3A_95 = tpu.vector_load_idx %arg7[%get3A_94] : memref<10000xi32, #tpu.memory_space<vmem>>[vector<16xi32>], vector<16xi32>,
        %add3A_96 = arith.constant 10000 : i32
        %add3A_97 = vector.broadcast %add3A_96 : i32 to vector<16xi32>
        %add3A_98 = arith.addi %gather3A_95, %add3A_97 : vector<16xi32>
        %swap3A_99 = arith.constant 112 : index
        %swap3A_100 = tpu.vector_load %arg9[%swap3A_99] {strides = array<i32>} : memref<128xi32, #tpu.memory_space<vmem>>, vector<16xi32>,
        tpu.vector_store %arg9[%swap3A_99], %add3A_98 {strides = array<i32>} : memref<128xi32, #tpu.memory_space<vmem>>, vector<16xi32>,
        %dma_start3A = arith.constant 0 : i32
        %dma_start3A_101 = arith.constant 0 : i32
        %dma_start3A_102 = tpu.memref_slice %arg4[%dma_start3A, %dma_start3A_101] : memref<20000x144xf32, #tpu.memory_space<hbm>> -> memref<20000x144xf32, #tpu.memory_space<hbm>>
        tpu.enqueue_indirect_dma source(%dma_start3A_102 : memref<20000x144xf32, #tpu.memory_space<hbm>>) target(%arg11 : memref<128x144xf32, #tpu.memory_space<vmem>>) offsets(%arg9 : memref<128xi32, #tpu.memory_space<vmem>>) semaphore(%arg13 : memref<!tpu.dma_semaphore, #tpu.memory_space<semaphore_mem>>)
        %dma_wait3A = arith.constant 0 : i32
        %dma_wait3A_103 = arith.constant 0 : i32
        %dma_wait3A_104 = tpu.memref_slice %arg4[%dma_wait3A, %dma_wait3A_103] : memref<20000x144xf32, #tpu.memory_space<hbm>> -> memref<20000x144xf32, #tpu.memory_space<hbm>>
        tpu.wait_indirect_dma semaphore(%arg13 : memref<!tpu.dma_semaphore, #tpu.memory_space<semaphore_mem>>) src(%dma_wait3A_104 : memref<20000x144xf32, #tpu.memory_space<hbm>>) dst(%arg11 : memref<128x144xf32, #tpu.memory_space<vmem>>)
        "tpu.region"() ({
          %run_scoped3A_105 = tpu.sem_alloc : memref<!tpu.dma_semaphore, #tpu.memory_space<semaphore_mem>>
          %dma_start3A_106 = arith.constant 0 : i32
          %dma_start3A_107 = arith.constant 0 : i32
          %dma_start3A_108 = tpu.memref_slice %arg12[%dma_start3A_106, %dma_start3A_107] : memref<10240x144xf32, #tpu.memory_space<vmem_shared>> -> memref<10240x144xf32, #tpu.memory_space<vmem_shared>>
          tpu.enqueue_indirect_dma source(%arg11 : memref<128x144xf32, #tpu.memory_space<vmem>>) target(%dma_start3A_108 : memref<10240x144xf32, #tpu.memory_space<vmem_shared>>) offsets(%arg10 : memref<128xi32, #tpu.memory_space<vmem>>) semaphore(%run_scoped3A_105 : memref<!tpu.dma_semaphore, #tpu.memory_space<semaphore_mem>>) {add = true}
          %dma_wait3A_109 = arith.constant 0 : i32
          %dma_wait3A_110 = arith.constant 0 : i32
          %dma_wait3A_111 = tpu.memref_slice %arg12[%dma_wait3A_109, %dma_wait3A_110] : memref<10240x144xf32, #tpu.memory_space<vmem_shared>> -> memref<10240x144xf32, #tpu.memory_space<vmem_shared>>
          tpu.wait_indirect_dma semaphore(%run_scoped3A_105 : memref<!tpu.dma_semaphore, #tpu.memory_space<semaphore_mem>>) src(%arg11 : memref<128x144xf32, #tpu.memory_space<vmem>>) dst(%dma_wait3A_111 : memref<10240x144xf32, #tpu.memory_space<vmem_shared>>)
          tpu.yield
        }) : () -> ()
      } else {
      }
    }
    %scan3A_24 = arith.constant 79 : i32
    %barrier3A_25 = arith.constant 0 : index
    tpu.barrier barrier_id(%barrier3A_25)
    %add3A_26 = arith.constant 2 : i32
    %add3A_27 = arith.addi %add3A_26, %arg0 : i32
    %mul3A_28 = arith.constant 640 : i32
    %mul3A_29 = arith.muli %arg1, %mul3A_28 : i32
    %mul3A_30 = arith.constant 640 : i32
    %mul3A_31 = arith.muli %arg1, %mul3A_30 : i32
    "tpu.region"() ({
      %run_scoped3A_32 = tpu.sem_alloc : memref<!tpu.dma_semaphore, #tpu.memory_space<semaphore_mem>>
      %dma_start3A = arith.constant 0 : i32
      %dma_start3A_33 = tpu.memref_slice %arg6[%add3A_27, %mul3A_31, %dma_start3A] : memref<4x10240x144xf32, #tpu.memory_space<hbm>> -> memref<1x640x144xf32, #tpu.memory_space<hbm>>
      %dma_start3A_34 = tpu.memref_squeeze %dma_start3A_33 : memref<1x640x144xf32, #tpu.memory_space<hbm>> -> memref<640x144xf32, #tpu.memory_space<hbm>>
      %dma_start3A_35 = arith.constant 0 : i32
      %dma_start3A_36 = tpu.memref_slice %arg12[%mul3A_29, %dma_start3A_35] : memref<10240x144xf32, #tpu.memory_space<vmem_shared>> -> memref<640x144xf32, #tpu.memory_space<vmem_shared>>
      tpu.enqueue_dma source(%dma_start3A_36 : memref<640x144xf32, #tpu.memory_space<vmem_shared>>) target(%dma_start3A_34 : memref<640x144xf32, #tpu.memory_space<hbm>>) target_semaphore(%run_scoped3A_32 : memref<!tpu.dma_semaphore, #tpu.memory_space<semaphore_mem>>)
      %dma_wait3A = arith.constant 0 : i32
      %dma_wait3A_37 = tpu.memref_slice %arg6[%add3A_27, %mul3A_31, %dma_wait3A] : memref<4x10240x144xf32, #tpu.memory_space<hbm>> -> memref<1x640x144xf32, #tpu.memory_space<hbm>>
      %dma_wait3A_38 = tpu.memref_squeeze %dma_wait3A_37 : memref<1x640x144xf32, #tpu.memory_space<hbm>> -> memref<640x144xf32, #tpu.memory_space<hbm>>
      %dma_wait3A_39 = arith.constant 0 : i32
      %dma_wait3A_40 = tpu.memref_slice %arg12[%mul3A_29, %dma_wait3A_39] : memref<10240x144xf32, #tpu.memory_space<vmem_shared>> -> memref<640x144xf32, #tpu.memory_space<vmem_shared>>
      tpu.wait_dma2 semaphore(%run_scoped3A_32 : memref<!tpu.dma_semaphore, #tpu.memory_space<semaphore_mem>>) src(%dma_wait3A_40 : memref<640x144xf32, #tpu.memory_space<vmem_shared>>) dst(%dma_wait3A_38 : memref<640x144xf32, #tpu.memory_space<hbm>>)
      tpu.yield
    }) : () -> ()
    return
  }
}

module attributes {stable_mosaic.version = 14 : i64} {
  func.func @_stage1_body(%arg0: i32, %arg1: memref<10000x128xf32, #tpu.memory_space<vmem>>, %arg2: memref<1x128x128xf32, #tpu.memory_space<vmem>>, %arg3: memref<1x1x128xf32, #tpu.memory_space<vmem>>, %arg4: memref<1x128x128xf32, #tpu.memory_space<vmem>>, %arg5: memref<1x1x128xf32, #tpu.memory_space<vmem>>, %arg6: memref<1x10000x144xf32, #tpu.memory_space<vmem>>) attributes {dimension_semantics = [#tpu.dimension_semantics<arbitrary>], iteration_bounds = array<i64: 2>, scalar_prefetch = 0 : i64, scratch_operands = 0 : i64, tpu.core_type = #tpu.core_type<tc>, window_params = [{pipeline_mode = #tpu.pipeline_mode<synchronous>, transform_indices = @transform_0, window_bounds = array<i64: 10000, 128>}, {transform_indices = @transform_1, window_bounds = array<i64: 1, 128, 128>}, {transform_indices = @transform_2, window_bounds = array<i64: 1, 1, 128>}, {transform_indices = @transform_3, window_bounds = array<i64: 1, 128, 128>}, {transform_indices = @transform_4, window_bounds = array<i64: 1, 1, 128>}, {transform_indices = @transform_5, window_bounds = array<i64: 1, 10000, 144>}]} {
    %get3A = arith.constant 0 : index
    %get3A_0 = arith.constant 0 : index
    %get3A_1 = vector.load %arg1[%get3A, %get3A_0] : memref<10000x128xf32, #tpu.memory_space<vmem>>, vector<10000x128xf32>
    %get3A_2 = arith.constant 0 : index
    %get3A_3 = arith.constant 0 : index
    %get3A_4 = arith.constant 0 : index
    %get3A_5 = vector.load %arg2[%get3A_2, %get3A_3, %get3A_4] : memref<1x128x128xf32, #tpu.memory_space<vmem>>, vector<1x128x128xf32>
    %get3A_6 = vector.shape_cast %get3A_5 : vector<1x128x128xf32> to vector<128x128xf32>
    %get3A_7 = arith.constant 0 : index
    %get3A_8 = arith.constant 0 : index
    %get3A_9 = arith.constant 0 : index
    %get3A_10 = vector.load %arg4[%get3A_7, %get3A_8, %get3A_9] : memref<1x128x128xf32, #tpu.memory_space<vmem>>, vector<1x128x128xf32>
    %get3A_11 = vector.shape_cast %get3A_10 : vector<1x128x128xf32> to vector<128x128xf32>
    %dot_general3A = arith.constant dense<0.000000e+00> : vector<128x128xf32>
    %dot_general3A_12 = tpu.matmul %get3A_11, %get3A_6, %dot_general3A {dimension_numbers = #tpu.dot_dimension_numbers<[1], [0], [0], [1], [0, 0, 1, 1], [], []>, transpose_lhs_hint = false} : vector<128x128xf32>, vector<128x128xf32>, vector<128x128xf32> -> vector<128x128xf32>
    %get3A_13 = arith.constant 0 : index
    %get3A_14 = arith.constant 0 : index
    %get3A_15 = arith.constant 0 : index
    %get3A_16 = vector.load %arg3[%get3A_13, %get3A_14, %get3A_15] : memref<1x1x128xf32, #tpu.memory_space<vmem>>, vector<1x1x128xf32>
    %get3A_17 = vector.shape_cast %get3A_16 : vector<1x1x128xf32> to vector<1x128xf32>
    %transpose3A = tpu.transpose %get3A_11, [1, 0] : vector<128x128xf32> -> vector<128x128xf32>
    %dot_general3A_18 = arith.constant dense<0.000000e+00> : vector<1x128xf32>
    %dot_general3A_19 = tpu.matmul %get3A_17, %transpose3A, %dot_general3A_18 {dimension_numbers = #tpu.dot_dimension_numbers<[1], [0], [0], [1], [0, 0, 1, 1], [], []>, transpose_lhs_hint = false} : vector<1x128xf32>, vector<128x128xf32>, vector<1x128xf32> -> vector<1x128xf32>
    %transpose3A_20 = tpu.transpose %dot_general3A_12, [1, 0] : vector<128x128xf32> -> vector<128x128xf32>
    %dot_general3A_21 = arith.constant dense<0.000000e+00> : vector<10000x128xf32>
    %dot_general3A_22 = tpu.matmul %get3A_1, %transpose3A_20, %dot_general3A_21 {dimension_numbers = #tpu.dot_dimension_numbers<[1], [0], [0], [1], [0, 0, 1, 1], [], []>, transpose_lhs_hint = false} : vector<10000x128xf32>, vector<128x128xf32>, vector<10000x128xf32> -> vector<10000x128xf32>
    %add3A = vector.broadcast %dot_general3A_19 : vector<1x128xf32> to vector<10000x128xf32>
    %add3A_23 = arith.addf %dot_general3A_22, %add3A : vector<10000x128xf32>
    %get3A_24 = arith.constant 0 : index
    %get3A_25 = arith.constant 0 : index
    %get3A_26 = arith.constant 0 : index
    %get3A_27 = vector.load %arg5[%get3A_24, %get3A_25, %get3A_26] : memref<1x1x128xf32, #tpu.memory_space<vmem>>, vector<1x1x128xf32>
    %get3A_28 = vector.shape_cast %get3A_27 : vector<1x1x128xf32> to vector<1x128xf32>
    %squeeze3A = vector.shape_cast %get3A_28 : vector<1x128xf32> to vector<128xf32>
    %iota3A = tpu.iota {dimensions = array<i32: 0>} : vector<128x4xi32>
    %iota3A_29 = tpu.iota {dimensions = array<i32: 1>} : vector<128x4xi32>
    %jit3A = arith.constant 32 : i32
    %div3A = vector.broadcast %jit3A : i32 to vector<128x4xi32>
    %div3A_30 = arith.divsi %iota3A, %div3A : vector<128x4xi32>
    %sign3A = arith.constant 0 : i32
    %sign3A_31 = vector.broadcast %sign3A : i32 to vector<128x4xi32>
    %sign3A_32 = arith.cmpi sgt, %iota3A, %sign3A_31 : vector<128x4xi32>
    %sign3A_33 = arith.extui %sign3A_32 : vector<128x4xi1> to vector<128x4xi32>
    %sign3A_34 = arith.constant 0 : i32
    %sign3A_35 = vector.broadcast %sign3A_34 : i32 to vector<128x4xi32>
    %sign3A_36 = arith.cmpi slt, %iota3A, %sign3A_35 : vector<128x4xi32>
    %sign3A_37 = arith.extui %sign3A_36 : vector<128x4xi1> to vector<128x4xi32>
    %sign3A_38 = arith.subi %sign3A_33, %sign3A_37 : vector<128x4xi32>
    %sign3A_39 = arith.constant 0 : i32
    %sign3A_40 = arith.cmpi sgt, %jit3A, %sign3A_39 : i32
    %sign3A_41 = arith.extui %sign3A_40 : i1 to i32
    %sign3A_42 = arith.constant 0 : i32
    %sign3A_43 = arith.cmpi slt, %jit3A, %sign3A_42 : i32
    %sign3A_44 = arith.extui %sign3A_43 : i1 to i32
    %sign3A_45 = arith.subi %sign3A_41, %sign3A_44 : i32
    %ne3A = vector.broadcast %sign3A_45 : i32 to vector<128x4xi32>
    %ne3A_46 = arith.cmpi ne, %sign3A_38, %ne3A : vector<128x4xi32>
    %rem3A = vector.broadcast %jit3A : i32 to vector<128x4xi32>
    %rem3A_47 = arith.remsi %iota3A, %rem3A : vector<128x4xi32>
    %ne3A_48 = arith.constant 0 : i32
    %ne3A_49 = vector.broadcast %ne3A_48 : i32 to vector<128x4xi32>
    %ne3A_50 = arith.cmpi ne, %rem3A_47, %ne3A_49 : vector<128x4xi32>
    %and3A = arith.andi %ne3A_46, %ne3A_50 : vector<128x4xi1>
    %sub3A = arith.constant 1 : i32
    %sub3A_51 = vector.broadcast %sub3A : i32 to vector<128x4xi32>
    %sub3A_52 = arith.subi %div3A_30, %sub3A_51 : vector<128x4xi32>
    %select_n3A = arith.select %and3A, %sub3A_52, %div3A_30 : vector<128x4xi1>, vector<128x4xi32>
    %eq3A = arith.cmpi eq, %select_n3A, %iota3A_29 : vector<128x4xi32>
    %broadcast_in_dim3A = vector.shape_cast %squeeze3A : vector<128xf32> to vector<128x1xf32>
    %jit3A_53 = arith.constant 0.000000e+00 : f32
    %broadcast_in_dim3A_54 = vector.shape_cast %broadcast_in_dim3A : vector<128x1xf32> to vector<128x1xf32>
    %broadcast_in_dim3A_55 = vector.broadcast %broadcast_in_dim3A_54 : vector<128x1xf32> to vector<128x4xf32>
    %broadcast_in_dim3A_56 = vector.broadcast %jit3A_53 : f32 to vector<128x4xf32>
    %select_n3A_57 = arith.select %eq3A, %broadcast_in_dim3A_55, %broadcast_in_dim3A_56 : vector<128x4xi1>, vector<128x4xf32>
    %dot_general3A_58 = arith.constant dense<0.000000e+00> : vector<10000x4xf32>
    %dot_general3A_59 = tpu.matmul %add3A_23, %select_n3A_57, %dot_general3A_58 {dimension_numbers = #tpu.dot_dimension_numbers<[1], [0], [0], [1], [0, 0, 1, 1], [], []>, transpose_lhs_hint = false} : vector<10000x128xf32>, vector<128x4xf32>, vector<10000x4xf32> -> vector<10000x4xf32>
    %gt3A = arith.constant 0.000000e+00 : f32
    %gt3A_60 = vector.broadcast %gt3A : f32 to vector<10000x4xf32>
    %gt3A_61 = arith.cmpf ogt, %dot_general3A_59, %gt3A_60 : vector<10000x4xf32>
    %mul3A = arith.constant 2.000000e-01 : f32
    %mul3A_62 = vector.broadcast %mul3A : f32 to vector<10000x4xf32>
    %mul3A_63 = arith.mulf %mul3A_62, %dot_general3A_59 : vector<10000x4xf32>
    %select_n3A_64 = arith.select %gt3A_61, %dot_general3A_59, %mul3A_63 : vector<10000x4xi1>, vector<10000x4xf32>
    %reduce_max3A = arith.constant dense<0xFF800000> : vector<4xf32>
    %reduce_max3A_65 = vector.multi_reduction <maximumf>, %select_n3A_64, %reduce_max3A [0] : vector<10000x4xf32> to vector<4xf32>
    %broadcast_in_dim3A_66 = vector.shape_cast %reduce_max3A_65 : vector<4xf32> to vector<1x4xf32>
    %sub3A_67 = vector.broadcast %broadcast_in_dim3A_66 : vector<1x4xf32> to vector<10000x4xf32>
    %sub3A_68 = arith.subf %select_n3A_64, %sub3A_67 : vector<10000x4xf32>
    %exp3A = math.exp %sub3A_68 : vector<10000x4xf32>
    %iota3A_69 = tpu.iota {dimensions = array<i32: 0>} : vector<4x128xi32>
    %iota3A_70 = tpu.iota {dimensions = array<i32: 1>} : vector<4x128xi32>
    %jit3A_71 = arith.constant 32 : i32
    %div3A_72 = vector.broadcast %jit3A_71 : i32 to vector<4x128xi32>
    %div3A_73 = arith.divsi %iota3A_70, %div3A_72 : vector<4x128xi32>
    %sign3A_74 = arith.constant 0 : i32
    %sign3A_75 = vector.broadcast %sign3A_74 : i32 to vector<4x128xi32>
    %sign3A_76 = arith.cmpi sgt, %iota3A_70, %sign3A_75 : vector<4x128xi32>
    %sign3A_77 = arith.extui %sign3A_76 : vector<4x128xi1> to vector<4x128xi32>
    %sign3A_78 = arith.constant 0 : i32
    %sign3A_79 = vector.broadcast %sign3A_78 : i32 to vector<4x128xi32>
    %sign3A_80 = arith.cmpi slt, %iota3A_70, %sign3A_79 : vector<4x128xi32>
    %sign3A_81 = arith.extui %sign3A_80 : vector<4x128xi1> to vector<4x128xi32>
    %sign3A_82 = arith.subi %sign3A_77, %sign3A_81 : vector<4x128xi32>
    %sign3A_83 = arith.constant 0 : i32
    %sign3A_84 = arith.cmpi sgt, %jit3A_71, %sign3A_83 : i32
    %sign3A_85 = arith.extui %sign3A_84 : i1 to i32
    %sign3A_86 = arith.constant 0 : i32
    %sign3A_87 = arith.cmpi slt, %jit3A_71, %sign3A_86 : i32
    %sign3A_88 = arith.extui %sign3A_87 : i1 to i32
    %sign3A_89 = arith.subi %sign3A_85, %sign3A_88 : i32
    %ne3A_90 = vector.broadcast %sign3A_89 : i32 to vector<4x128xi32>
    %ne3A_91 = arith.cmpi ne, %sign3A_82, %ne3A_90 : vector<4x128xi32>
    %rem3A_92 = vector.broadcast %jit3A_71 : i32 to vector<4x128xi32>
    %rem3A_93 = arith.remsi %iota3A_70, %rem3A_92 : vector<4x128xi32>
    %ne3A_94 = arith.constant 0 : i32
    %ne3A_95 = vector.broadcast %ne3A_94 : i32 to vector<4x128xi32>
    %ne3A_96 = arith.cmpi ne, %rem3A_93, %ne3A_95 : vector<4x128xi32>
    %and3A_97 = arith.andi %ne3A_91, %ne3A_96 : vector<4x128xi1>
    %sub3A_98 = arith.constant 1 : i32
    %sub3A_99 = vector.broadcast %sub3A_98 : i32 to vector<4x128xi32>
    %sub3A_100 = arith.subi %div3A_73, %sub3A_99 : vector<4x128xi32>
    %select_n3A_101 = arith.select %and3A_97, %sub3A_100, %div3A_73 : vector<4x128xi1>, vector<4x128xi32>
    %eq3A_102 = arith.cmpi eq, %iota3A_69, %select_n3A_101 : vector<4x128xi32>
    %jit3A_103 = arith.constant 1.000000e+00 : f32
    %jit3A_104 = arith.constant 0.000000e+00 : f32
    %broadcast_in_dim3A_105 = vector.broadcast %jit3A_103 : f32 to vector<4x128xf32>
    %broadcast_in_dim3A_106 = vector.broadcast %jit3A_104 : f32 to vector<4x128xf32>
    %select_n3A_107 = arith.select %eq3A_102, %broadcast_in_dim3A_105, %broadcast_in_dim3A_106 : vector<4x128xi1>, vector<4x128xf32>
    %dot_general3A_108 = arith.constant dense<0.000000e+00> : vector<10000x128xf32>
    %dot_general3A_109 = tpu.matmul %exp3A, %select_n3A_107, %dot_general3A_108 {dimension_numbers = #tpu.dot_dimension_numbers<[1], [0], [0], [1], [0, 0, 1, 1], [], []>, transpose_lhs_hint = false} : vector<10000x4xf32>, vector<4x128xf32>, vector<10000x128xf32> -> vector<10000x128xf32>
    %mul3A_110 = arith.mulf %dot_general3A_109, %add3A_23 : vector<10000x128xf32>
    %swap3A = arith.constant 0 : index
    %swap3A_111 = arith.constant 0 : index
    %swap3A_112 = arith.constant 0 : index
    %swap3A_113 = vector.load %arg6[%swap3A, %swap3A_111, %swap3A_112] : memref<1x10000x144xf32, #tpu.memory_space<vmem>>, vector<1x10000x128xf32>
    %swap3A_114 = vector.shape_cast %swap3A_113 : vector<1x10000x128xf32> to vector<10000x128xf32>
    %swap3A_115 = vector.shape_cast %mul3A_110 : vector<10000x128xf32> to vector<1x10000x128xf32>
    tpu.vector_store %arg6[%swap3A, %swap3A_111, %swap3A_112], %swap3A_115 {strides = array<i32>} : memref<1x10000x144xf32, #tpu.memory_space<vmem>>, vector<1x10000x128xf32>,
    %swap3A_116 = arith.constant 0 : index
    %swap3A_117 = arith.constant 0 : index
    %swap3A_118 = arith.constant 128 : index
    %swap3A_119 = vector.load %arg6[%swap3A_116, %swap3A_117, %swap3A_118] : memref<1x10000x144xf32, #tpu.memory_space<vmem>>, vector<1x10000x4xf32>
    %swap3A_120 = vector.shape_cast %swap3A_119 : vector<1x10000x4xf32> to vector<10000x4xf32>
    %swap3A_121 = vector.shape_cast %exp3A : vector<10000x4xf32> to vector<1x10000x4xf32>
    tpu.vector_store %arg6[%swap3A_116, %swap3A_117, %swap3A_118], %swap3A_121 {strides = array<i32>} : memref<1x10000x144xf32, #tpu.memory_space<vmem>>, vector<1x10000x4xf32>,
    %broadcast_in_dim3A_122 = arith.constant 0.000000e+00 : f32
    %broadcast_in_dim3A_123 = vector.broadcast %broadcast_in_dim3A_122 : f32 to vector<10000x12xf32>
    %swap3A_124 = arith.constant 0 : index
    %swap3A_125 = arith.constant 0 : index
    %swap3A_126 = arith.constant 132 : index
    %swap3A_127 = vector.load %arg6[%swap3A_124, %swap3A_125, %swap3A_126] : memref<1x10000x144xf32, #tpu.memory_space<vmem>>, vector<1x10000x12xf32>
    %swap3A_128 = vector.shape_cast %swap3A_127 : vector<1x10000x12xf32> to vector<10000x12xf32>
    %swap3A_129 = vector.shape_cast %broadcast_in_dim3A_123 : vector<10000x12xf32> to vector<1x10000x12xf32>
    tpu.vector_store %arg6[%swap3A_124, %swap3A_125, %swap3A_126], %swap3A_129 {strides = array<i32>} : memref<1x10000x144xf32, #tpu.memory_space<vmem>>, vector<1x10000x12xf32>,
    return
  }
  func.func @transform_0(%arg0: i32) -> (i32, i32) {
    %c0_i32 = arith.constant 0 : i32
    %c0_i32_0 = arith.constant 0 : i32
    %c0_i32_1 = arith.constant 0 : i32
    return %c0_i32, %c0_i32_0 : i32, i32
  }
  func.func @transform_1(%arg0: i32) -> (i32, i32, i32) {
    %c0_i32 = arith.constant 0 : i32
    %c0_i32_0 = arith.constant 0 : i32
    %c0_i32_1 = arith.constant 0 : i32
    return %arg0, %c0_i32, %c0_i32_0 : i32, i32, i32
  }
  func.func @transform_2(%arg0: i32) -> (i32, i32, i32) {
    %c0_i32 = arith.constant 0 : i32
    %c0_i32_0 = arith.constant 0 : i32
    %c0_i32_1 = arith.constant 0 : i32
    return %arg0, %c0_i32, %c0_i32_0 : i32, i32, i32
  }
  func.func @transform_3(%arg0: i32) -> (i32, i32, i32) {
    %c0_i32 = arith.constant 0 : i32
    %c0_i32_0 = arith.constant 0 : i32
    %c0_i32_1 = arith.constant 0 : i32
    return %arg0, %c0_i32, %c0_i32_0 : i32, i32, i32
  }
  func.func @transform_4(%arg0: i32) -> (i32, i32, i32) {
    %c0_i32 = arith.constant 0 : i32
    %c0_i32_0 = arith.constant 0 : i32
    %c0_i32_1 = arith.constant 0 : i32
    return %arg0, %c0_i32, %c0_i32_0 : i32, i32, i32
  }
  func.func @transform_5(%arg0: i32) -> (i32, i32, i32) {
    %c0_i32 = arith.constant 0 : i32
    %c0_i32_0 = arith.constant 0 : i32
    %c0_i32_1 = arith.constant 0 : i32
    return %arg0, %c0_i32, %c0_i32_0 : i32, i32, i32
  }
}

module attributes {stable_mosaic.version = 14 : i64} {
  func.func @_stage2_body(%arg0: i32, %arg1: memref<4x1000x144xf32, #tpu.memory_space<vmem>>, %arg2: memref<2x1x128xf32, #tpu.memory_space<vmem>>, %arg3: memref<1x2xf32, #tpu.memory_space<vmem>>, %arg4: memref<1000x2xf32, #tpu.memory_space<vmem>>, %arg5: memref<128x128xf32, #tpu.memory_space<vmem>>, %arg6: memref<1x128xf32, #tpu.memory_space<vmem>>, %arg7: memref<1000x128xf32, #tpu.memory_space<vmem>>) attributes {dimension_semantics = [#tpu.dimension_semantics<arbitrary>], iteration_bounds = array<i64: 10>, scalar_prefetch = 0 : i64, scratch_operands = 0 : i64, tpu.core_type = #tpu.core_type<tc>, window_params = [{transform_indices = @transform_0, window_bounds = array<i64: 4, 1000, 144>}, {pipeline_mode = #tpu.pipeline_mode<synchronous>, transform_indices = @transform_1, window_bounds = array<i64: 2, 1, 128>}, {pipeline_mode = #tpu.pipeline_mode<synchronous>, transform_indices = @transform_2, window_bounds = array<i64: 1, 2>}, {transform_indices = @transform_3, window_bounds = array<i64: 1000, 2>}, {pipeline_mode = #tpu.pipeline_mode<synchronous>, transform_indices = @transform_4, window_bounds = array<i64: 128, 128>}, {pipeline_mode = #tpu.pipeline_mode<synchronous>, transform_indices = @transform_5, window_bounds = array<i64: 1, 128>}, {transform_indices = @transform_6, window_bounds = array<i64: 1000, 128>}]} {
    %get3A = arith.constant 0 : index
    %get3A_0 = arith.constant 0 : index
    %get3A_1 = arith.constant 0 : index
    %get3A_2 = vector.load %arg1[%get3A, %get3A_0, %get3A_1] : memref<4x1000x144xf32, #tpu.memory_space<vmem>>, vector<4x1000x144xf32>
    %iota3A = tpu.iota {dimensions = array<i32: 0>} : vector<4x128xi32>
    %iota3A_3 = tpu.iota {dimensions = array<i32: 1>} : vector<4x128xi32>
    %jit3A = arith.constant 32 : i32
    %div3A = vector.broadcast %jit3A : i32 to vector<4x128xi32>
    %div3A_4 = arith.divsi %iota3A_3, %div3A : vector<4x128xi32>
    %sign3A = arith.constant 0 : i32
    %sign3A_5 = vector.broadcast %sign3A : i32 to vector<4x128xi32>
    %sign3A_6 = arith.cmpi sgt, %iota3A_3, %sign3A_5 : vector<4x128xi32>
    %sign3A_7 = arith.extui %sign3A_6 : vector<4x128xi1> to vector<4x128xi32>
    %sign3A_8 = arith.constant 0 : i32
    %sign3A_9 = vector.broadcast %sign3A_8 : i32 to vector<4x128xi32>
    %sign3A_10 = arith.cmpi slt, %iota3A_3, %sign3A_9 : vector<4x128xi32>
    %sign3A_11 = arith.extui %sign3A_10 : vector<4x128xi1> to vector<4x128xi32>
    %sign3A_12 = arith.subi %sign3A_7, %sign3A_11 : vector<4x128xi32>
    %sign3A_13 = arith.constant 0 : i32
    %sign3A_14 = arith.cmpi sgt, %jit3A, %sign3A_13 : i32
    %sign3A_15 = arith.extui %sign3A_14 : i1 to i32
    %sign3A_16 = arith.constant 0 : i32
    %sign3A_17 = arith.cmpi slt, %jit3A, %sign3A_16 : i32
    %sign3A_18 = arith.extui %sign3A_17 : i1 to i32
    %sign3A_19 = arith.subi %sign3A_15, %sign3A_18 : i32
    %ne3A = vector.broadcast %sign3A_19 : i32 to vector<4x128xi32>
    %ne3A_20 = arith.cmpi ne, %sign3A_12, %ne3A : vector<4x128xi32>
    %rem3A = vector.broadcast %jit3A : i32 to vector<4x128xi32>
    %rem3A_21 = arith.remsi %iota3A_3, %rem3A : vector<4x128xi32>
    %ne3A_22 = arith.constant 0 : i32
    %ne3A_23 = vector.broadcast %ne3A_22 : i32 to vector<4x128xi32>
    %ne3A_24 = arith.cmpi ne, %rem3A_21, %ne3A_23 : vector<4x128xi32>
    %and3A = arith.andi %ne3A_20, %ne3A_24 : vector<4x128xi1>
    %sub3A = arith.constant 1 : i32
    %sub3A_25 = vector.broadcast %sub3A : i32 to vector<4x128xi32>
    %sub3A_26 = arith.subi %div3A_4, %sub3A_25 : vector<4x128xi32>
    %select_n3A = arith.select %and3A, %sub3A_26, %div3A_4 : vector<4x128xi1>, vector<4x128xi32>
    %eq3A = arith.cmpi eq, %iota3A, %select_n3A : vector<4x128xi32>
    %jit3A_27 = arith.constant 1.000000e+00 : f32
    %jit3A_28 = arith.constant 0.000000e+00 : f32
    %broadcast_in_dim3A = vector.broadcast %jit3A_27 : f32 to vector<4x128xf32>
    %broadcast_in_dim3A_29 = vector.broadcast %jit3A_28 : f32 to vector<4x128xf32>
    %select_n3A_30 = arith.select %eq3A, %broadcast_in_dim3A, %broadcast_in_dim3A_29 : vector<4x128xi1>, vector<4x128xf32>
    %get3A_31 = arith.constant 0 : index
    %get3A_32 = arith.constant 0 : index
    %get3A_33 = vector.load %arg3[%get3A_31, %get3A_32] : memref<1x2xf32, #tpu.memory_space<vmem>>, vector<1x2xf32>
    %get3A_34 = arith.constant 0 : index
    %get3A_35 = arith.constant 0 : index
    %get3A_36 = vector.load %arg4[%get3A_34, %get3A_35] : memref<1000x2xf32, #tpu.memory_space<vmem>>, vector<1000x2xf32>
    %slice3A = vector.extract_strided_slice %get3A_2 {offsets = [0, 0, 0], sizes = [1, 1000, 128], strides = [1, 1, 1]} : vector<4x1000x144xf32> to vector<1x1000x128xf32>
    %squeeze3A = vector.shape_cast %slice3A : vector<1x1000x128xf32> to vector<1000x128xf32>
    %slice3A_37 = vector.extract_strided_slice %get3A_2 {offsets = [1, 0, 0], sizes = [1, 1000, 128], strides = [1, 1, 1]} : vector<4x1000x144xf32> to vector<1x1000x128xf32>
    %squeeze3A_38 = vector.shape_cast %slice3A_37 : vector<1x1000x128xf32> to vector<1000x128xf32>
    %add3A = arith.addf %squeeze3A, %squeeze3A_38 : vector<1000x128xf32>
    %slice3A_39 = vector.extract_strided_slice %get3A_2 {offsets = [0, 0, 128], sizes = [1, 1000, 4], strides = [1, 1, 1]} : vector<4x1000x144xf32> to vector<1x1000x4xf32>
    %squeeze3A_40 = vector.shape_cast %slice3A_39 : vector<1x1000x4xf32> to vector<1000x4xf32>
    %slice3A_41 = vector.extract_strided_slice %get3A_2 {offsets = [1, 0, 128], sizes = [1, 1000, 4], strides = [1, 1, 1]} : vector<4x1000x144xf32> to vector<1x1000x4xf32>
    %squeeze3A_42 = vector.shape_cast %slice3A_41 : vector<1x1000x4xf32> to vector<1000x4xf32>
    %add3A_43 = arith.addf %squeeze3A_40, %squeeze3A_42 : vector<1000x4xf32>
    %dot_general3A = arith.constant dense<0.000000e+00> : vector<1000x128xf32>
    %dot_general3A_44 = tpu.matmul %add3A_43, %select_n3A_30, %dot_general3A {dimension_numbers = #tpu.dot_dimension_numbers<[1], [0], [0], [1], [0, 0, 1, 1], [], []>, transpose_lhs_hint = false} : vector<1000x4xf32>, vector<4x128xf32>, vector<1000x128xf32> -> vector<1000x128xf32>
    %add3A_45 = arith.constant 1.000000e-16 : f32
    %add3A_46 = vector.broadcast %add3A_45 : f32 to vector<1000x128xf32>
    %add3A_47 = arith.addf %dot_general3A_44, %add3A_46 : vector<1000x128xf32>
    %div3A_48 = arith.divf %add3A, %add3A_47 : vector<1000x128xf32>
    %get3A_49 = arith.constant 0 : index
    %get3A_50 = arith.constant 0 : index
    %get3A_51 = arith.constant 0 : index
    %get3A_52 = vector.load %arg2[%get3A_49, %get3A_50, %get3A_51] : memref<2x1x128xf32, #tpu.memory_space<vmem>>, vector<1x1x128xf32>
    %get3A_53 = vector.shape_cast %get3A_52 : vector<1x1x128xf32> to vector<128xf32>
    %broadcast_in_dim3A_54 = vector.shape_cast %get3A_53 : vector<128xf32> to vector<1x128xf32>
    %add3A_55 = vector.broadcast %broadcast_in_dim3A_54 : vector<1x128xf32> to vector<1000x128xf32>
    %add3A_56 = arith.addf %div3A_48, %add3A_55 : vector<1000x128xf32>
    %mul3A = arith.constant 2.000000e+00 : f32
    %mul3A_57 = vector.broadcast %mul3A : f32 to vector<1000x128xf32>
    %mul3A_58 = arith.mulf %mul3A_57, %add3A_56 : vector<1000x128xf32>
    %slice3A_59 = vector.extract_strided_slice %get3A_33 {offsets = [0, 0], sizes = [1, 1], strides = [1, 1]} : vector<1x2xf32> to vector<1x1xf32>
    %slice3A_60 = vector.extract_strided_slice %get3A_36 {offsets = [0, 0], sizes = [1000, 1], strides = [1, 1]} : vector<1000x2xf32> to vector<1000x1xf32>
    %mul3A_61 = vector.broadcast %slice3A_59 : vector<1x1xf32> to vector<1000x1xf32>
    %mul3A_62 = arith.mulf %mul3A_61, %slice3A_60 : vector<1000x1xf32>
    %mul3A_63 = vector.broadcast %mul3A_62 : vector<1000x1xf32> to vector<1000x128xf32>
    %mul3A_64 = arith.mulf %mul3A_63, %mul3A_58 : vector<1000x128xf32>
    %slice3A_65 = vector.extract_strided_slice %get3A_2 {offsets = [2, 0, 0], sizes = [1, 1000, 128], strides = [1, 1, 1]} : vector<4x1000x144xf32> to vector<1x1000x128xf32>
    %squeeze3A_66 = vector.shape_cast %slice3A_65 : vector<1x1000x128xf32> to vector<1000x128xf32>
    %slice3A_67 = vector.extract_strided_slice %get3A_2 {offsets = [3, 0, 0], sizes = [1, 1000, 128], strides = [1, 1, 1]} : vector<4x1000x144xf32> to vector<1x1000x128xf32>
    %squeeze3A_68 = vector.shape_cast %slice3A_67 : vector<1x1000x128xf32> to vector<1000x128xf32>
    %add3A_69 = arith.addf %squeeze3A_66, %squeeze3A_68 : vector<1000x128xf32>
    %slice3A_70 = vector.extract_strided_slice %get3A_2 {offsets = [2, 0, 128], sizes = [1, 1000, 4], strides = [1, 1, 1]} : vector<4x1000x144xf32> to vector<1x1000x4xf32>
    %squeeze3A_71 = vector.shape_cast %slice3A_70 : vector<1x1000x4xf32> to vector<1000x4xf32>
    %slice3A_72 = vector.extract_strided_slice %get3A_2 {offsets = [3, 0, 128], sizes = [1, 1000, 4], strides = [1, 1, 1]} : vector<4x1000x144xf32> to vector<1x1000x4xf32>
    %squeeze3A_73 = vector.shape_cast %slice3A_72 : vector<1x1000x4xf32> to vector<1000x4xf32>
    %add3A_74 = arith.addf %squeeze3A_71, %squeeze3A_73 : vector<1000x4xf32>
    %dot_general3A_75 = arith.constant dense<0.000000e+00> : vector<1000x128xf32>
    %dot_general3A_76 = tpu.matmul %add3A_74, %select_n3A_30, %dot_general3A_75 {dimension_numbers = #tpu.dot_dimension_numbers<[1], [0], [0], [1], [0, 0, 1, 1], [], []>, transpose_lhs_hint = false} : vector<1000x4xf32>, vector<4x128xf32>, vector<1000x128xf32> -> vector<1000x128xf32>
    %add3A_77 = arith.constant 1.000000e-16 : f32
    %add3A_78 = vector.broadcast %add3A_77 : f32 to vector<1000x128xf32>
    %add3A_79 = arith.addf %dot_general3A_76, %add3A_78 : vector<1000x128xf32>
    %div3A_80 = arith.divf %add3A_69, %add3A_79 : vector<1000x128xf32>
    %get3A_81 = arith.constant 1 : index
    %get3A_82 = arith.constant 0 : index
    %get3A_83 = arith.constant 0 : index
    %get3A_84 = vector.load %arg2[%get3A_81, %get3A_82, %get3A_83] : memref<2x1x128xf32, #tpu.memory_space<vmem>>, vector<1x1x128xf32>
    %get3A_85 = vector.shape_cast %get3A_84 : vector<1x1x128xf32> to vector<128xf32>
    %broadcast_in_dim3A_86 = vector.shape_cast %get3A_85 : vector<128xf32> to vector<1x128xf32>
    %add3A_87 = vector.broadcast %broadcast_in_dim3A_86 : vector<1x128xf32> to vector<1000x128xf32>
    %add3A_88 = arith.addf %div3A_80, %add3A_87 : vector<1000x128xf32>
    %mul3A_89 = arith.constant 2.000000e+00 : f32
    %mul3A_90 = vector.broadcast %mul3A_89 : f32 to vector<1000x128xf32>
    %mul3A_91 = arith.mulf %mul3A_90, %add3A_88 : vector<1000x128xf32>
    %slice3A_92 = vector.extract_strided_slice %get3A_33 {offsets = [0, 1], sizes = [1, 1], strides = [1, 1]} : vector<1x2xf32> to vector<1x1xf32>
    %slice3A_93 = vector.extract_strided_slice %get3A_36 {offsets = [0, 1], sizes = [1000, 1], strides = [1, 1]} : vector<1000x2xf32> to vector<1000x1xf32>
    %mul3A_94 = vector.broadcast %slice3A_92 : vector<1x1xf32> to vector<1000x1xf32>
    %mul3A_95 = arith.mulf %mul3A_94, %slice3A_93 : vector<1000x1xf32>
    %mul3A_96 = vector.broadcast %mul3A_95 : vector<1000x1xf32> to vector<1000x128xf32>
    %mul3A_97 = arith.mulf %mul3A_96, %mul3A_91 : vector<1000x128xf32>
    %add3A_98 = arith.addf %mul3A_64, %mul3A_97 : vector<1000x128xf32>
    %get3A_99 = arith.constant 0 : index
    %get3A_100 = arith.constant 0 : index
    %get3A_101 = vector.load %arg5[%get3A_99, %get3A_100] : memref<128x128xf32, #tpu.memory_space<vmem>>, vector<128x128xf32>
    %transpose3A = tpu.transpose %get3A_101, [1, 0] : vector<128x128xf32> -> vector<128x128xf32>
    %dot_general3A_102 = arith.constant dense<0.000000e+00> : vector<1000x128xf32>
    %dot_general3A_103 = tpu.matmul %add3A_98, %transpose3A, %dot_general3A_102 {dimension_numbers = #tpu.dot_dimension_numbers<[1], [0], [0], [1], [0, 0, 1, 1], [], []>, transpose_lhs_hint = false} : vector<1000x128xf32>, vector<128x128xf32>, vector<1000x128xf32> -> vector<1000x128xf32>
    %get3A_104 = arith.constant 0 : index
    %get3A_105 = arith.constant 0 : index
    %get3A_106 = vector.load %arg6[%get3A_104, %get3A_105] : memref<1x128xf32, #tpu.memory_space<vmem>>, vector<1x128xf32>
    %get3A_107 = vector.shape_cast %get3A_106 : vector<1x128xf32> to vector<128xf32>
    %broadcast_in_dim3A_108 = vector.shape_cast %get3A_107 : vector<128xf32> to vector<1x128xf32>
    %add3A_109 = vector.broadcast %broadcast_in_dim3A_108 : vector<1x128xf32> to vector<1000x128xf32>
    %add3A_110 = arith.addf %dot_general3A_103, %add3A_109 : vector<1000x128xf32>
    %swap3A = arith.constant 0 : index
    %swap3A_111 = arith.constant 0 : index
    %swap3A_112 = vector.load %arg7[%swap3A, %swap3A_111] : memref<1000x128xf32, #tpu.memory_space<vmem>>, vector<1000x128xf32>
    tpu.vector_store %arg7[%swap3A, %swap3A_111], %add3A_110 {strides = array<i32>} : memref<1000x128xf32, #tpu.memory_space<vmem>>, vector<1000x128xf32>,
    return
  }
  func.func @transform_0(%arg0: i32) -> (i32, i32, i32) {
    %c0_i32 = arith.constant 0 : i32
    %c0_i32_0 = arith.constant 0 : i32
    %c0_i32_1 = arith.constant 0 : i32
    return %c0_i32, %arg0, %c0_i32_0 : i32, i32, i32
  }
  func.func @transform_1(%arg0: i32) -> (i32, i32, i32) {
    %c0_i32 = arith.constant 0 : i32
    %c0_i32_0 = arith.constant 0 : i32
    %c0_i32_1 = arith.constant 0 : i32
    %c0_i32_2 = arith.constant 0 : i32
    return %c0_i32, %c0_i32_0, %c0_i32_1 : i32, i32, i32
  }
  func.func @transform_2(%arg0: i32) -> (i32, i32) {
    %c0_i32 = arith.constant 0 : i32
    %c0_i32_0 = arith.constant 0 : i32
    %c0_i32_1 = arith.constant 0 : i32
    return %c0_i32, %c0_i32_0 : i32, i32
  }
  func.func @transform_3(%arg0: i32) -> (i32, i32) {
    %c0_i32 = arith.constant 0 : i32
    %c0_i32_0 = arith.constant 0 : i32
    return %arg0, %c0_i32 : i32, i32
  }
  func.func @transform_4(%arg0: i32) -> (i32, i32) {
    %c0_i32 = arith.constant 0 : i32
    %c0_i32_0 = arith.constant 0 : i32
    %c0_i32_1 = arith.constant 0 : i32
    return %c0_i32, %c0_i32_0 : i32, i32
  }
  func.func @transform_5(%arg0: i32) -> (i32, i32) {
    %c0_i32 = arith.constant 0 : i32
    %c0_i32_0 = arith.constant 0 : i32
    %c0_i32_1 = arith.constant 0 : i32
    return %c0_i32, %c0_i32_0 : i32, i32
  }
  func.func @transform_6(%arg0: i32) -> (i32, i32) {
    %c0_i32 = arith.constant 0 : i32
    %c0_i32_0 = arith.constant 0 : i32
    return %arg0, %c0_i32 : i32, i32
  }
}

module attributes {stable_mosaic.version = 14 : i64} {
  func.func @_dot_body(%arg0: i32, %arg1: memref<400x128xf32, #tpu.memory_space<vmem>>, %arg2: memref<10000x128xf32, #tpu.memory_space<vmem>>, %arg3: memref<400x10000xf32, #tpu.memory_space<vmem>>) attributes {dimension_semantics = [#tpu.dimension_semantics<arbitrary>], iteration_bounds = array<i64: 25>, scalar_prefetch = 0 : i64, scratch_operands = 0 : i64, tpu.core_type = #tpu.core_type<tc>, window_params = [{transform_indices = @transform_0, window_bounds = array<i64: 400, 128>}, {pipeline_mode = #tpu.pipeline_mode<synchronous>, transform_indices = @transform_1, window_bounds = array<i64: 10000, 128>}, {transform_indices = @transform_2, window_bounds = array<i64: 400, 10000>}]} {
    %get3A = arith.constant 0 : index
    %get3A_0 = arith.constant 0 : index
    %get3A_1 = vector.load %arg1[%get3A, %get3A_0] : memref<400x128xf32, #tpu.memory_space<vmem>>, vector<400x128xf32>
    %get3A_2 = arith.constant 0 : index
    %get3A_3 = arith.constant 0 : index
    %get3A_4 = vector.load %arg2[%get3A_2, %get3A_3] : memref<10000x128xf32, #tpu.memory_space<vmem>>, vector<10000x128xf32>
    %dot_general3A = arith.constant dense<0.000000e+00> : vector<400x10000xf32>
    %dot_general3A_5 = tpu.matmul %get3A_1, %get3A_4, %dot_general3A {dimension_numbers = #tpu.dot_dimension_numbers<[1], [1], [0], [0], [0, 0, 1, 0], [], []>, transpose_lhs_hint = false} : vector<400x128xf32>, vector<10000x128xf32>, vector<400x10000xf32> -> vector<400x10000xf32>
    %swap3A = arith.constant 0 : index
    %swap3A_6 = arith.constant 0 : index
    %swap3A_7 = vector.load %arg3[%swap3A, %swap3A_6] : memref<400x10000xf32, #tpu.memory_space<vmem>>, vector<400x10000xf32>
    tpu.vector_store %arg3[%swap3A, %swap3A_6], %dot_general3A_5 {strides = array<i32>} : memref<400x10000xf32, #tpu.memory_space<vmem>>, vector<400x10000xf32>,
    return
  }
  func.func @transform_0(%arg0: i32) -> (i32, i32) {
    %c0_i32 = arith.constant 0 : i32
    %c0_i32_0 = arith.constant 0 : i32
    return %arg0, %c0_i32 : i32, i32
  }
  func.func @transform_1(%arg0: i32) -> (i32, i32) {
    %c0_i32 = arith.constant 0 : i32
    %c0_i32_0 = arith.constant 0 : i32
    %c0_i32_1 = arith.constant 0 : i32
    return %c0_i32, %c0_i32_0 : i32, i32
  }
  func.func @transform_2(%arg0: i32) -> (i32, i32) {
    %c0_i32 = arith.constant 0 : i32
    %c0_i32_0 = arith.constant 0 : i32
    return %arg0, %c0_i32 : i32, i32
  }
}

</mosaic_0001>

<sc_bundles>
// kernel: kernel.6.cloned.1.call-start
scs
__scs_entry_jumppad:
0x0: {  	(pc) =	sbr.rel $0x88, $3  }
0x1: {  	(tag) =	ssettag $0x0;
	lr =	simm.s32 $0x1  }
0x2: {  	[smem:$0x3F8E] =	sst lr;
	_ =	strace $0xD0000000  }
0x3: {  	_ = 	snop  }
0x4: {  	_ = 	snop  }
0x5: {  	_ = 	snop  }
0x6: {  	_ = 	snop  }
0x7: {  	_ = 	snop  }
__scs_overlays_trampoline_lowered:
0x8: {  	[smem:$0x3F9D] =	sst s0  }
0x9: {  	[smem:$0x3F9E] =	sst s1  }
0xa: {  	[smem:$0x3F9F] =	sst s2  }
0xb: {  	[smem:$0x3FA0] =	sst s3  }
0xc: {  	[smem:$0x3FA1] =	sst s4  }
0xd: {  	[smem:$0x3FA2] =	sst s5  }
0xe: {  	[smem:$0x3FA3] =	sst s6  }
0xf: {  	[smem:$0x3FA4] =	sst s7  }
0x10: {  	[smem:$0x3FA5] =	sst s8  }
0x11: {  	[smem:$0x3FA6] =	sst s9;
	s0 =	simm.s32 @!p0 $0x0  }
0x12: {  	s1 =	sld [smem:$0x3F8C];
	s0 =	simm.s32 @p0 $0x1  }
0x13: {  	[smem:$0x3FA7] =	sst s0;
	s0 =	simm.s32 @!p1 $0x0  }
0x14: {  	s2 =	sld [smem:$0x3F8B];
	s0 =	simm.s32 @p1 $0x1  }
0x15: {  	[smem:$0x3FA8] =	sst s0;
	s0 =	simm.s32 @!p2 $0x0  }
0x16: {  	s3 =	sld [smem:$0x3FDB];
	s0 =	simm.s32 @p2 $0x1  }
0x17: {  	s4 =	simm.s32 $0x1BF5;
	[smem:$0x3FAA] =	sst s0  }
0x18: {  	s0 =	sld [smem:$0x3F8D];
	_ =	swait.ge [sflag:s4], $0x0  }
0x19: {  	s7 =	sld [smem:$0x3F8E]  }
0x1a: {  	s8 =	sadd.s32 $0xFFFFE003, lr  }
0x1b: {  	s9 =	sadd.s32 $0xFFFFFEF7, lr;
	s5 =	simm.s32 $0xFFFFFFFF;
	p2 =	slt.u32 s8, $0xFFFFF086  }
0x1c: {  	p1 =	slt.u32 s9, $0xF7A;
	s5 =	simm.s32 @!p2 $0x0  }
0x1d: {  	s5 =	simm.s32 @p1 $0x1;
	p0 =	seq.s32 s7, s2  }
0x1e: {  	s7 =	smul.u32 @!p0 $0xF7A, s2;
	p2 =	seq.s32 @!p0 s5, $0x0  }
0x1f: {  	s9 =	smul.u32 $0xF7A, s1;
	s8 =	simm.s32 @!p0 $0x1BF5;
	p2 =	por !p2, p0  }
0x20: {  	[sflag:s8] =	ssyncset.s32 @!p0 $0xFFFFF086;
	s6 =	sadd.s32 @!p0 s3, s7;
	s7 =	simm.s32 @!p0 $0x108  }
0x21: {  	s3 =	sadd.s32 s3, s9;
	s6 =	sadd.s32 @!p0 $0x88, s6;
	s7 =	simm.s32 @p2 $0x1082  }
0x22: {  	[simem:s7], [sflag:s8] =	dma.local @!p0 [hbm:s6], $0xF7A  }
0x23: {  	s9 =	sor.u32 $0xD0000000, s2;
	s6 =	simm.s32 $0x108;
	_ =	swait.ge @!p0 [sflag:s8], $0x0  }
0x24: {  	s3 =	sadd.s32 $0x88, s3;
	s6 =	simm.s32 @!p1 $0x1082;
	[sflag:s4] =	ssyncset.s32 $0xFFFFF086  }
0x25: {  	[simem:s6], [sflag:s4] =	dma.local [hbm:s3], $0xF7A  }
0x26: {  	[smem:$0x3F8E] =	sst s1;
	(tag) =	ssettag s2;
	_ =	strace s9  }
0x27: {  	s1 =	sld [smem:$0x3F9E]  }
0x28: {  	s2 =	sld [smem:$0x3F9F]  }
0x29: {  	s4 =	sld [smem:$0x3FA1]  }
0x2a: {  	p0 =	seq.s32 s5, $0x0;
	s5 =	sld [smem:$0x3FA2]  }
0x2b: {  	s6 =	sld [smem:$0x3FA3]  }
0x2c: {  	s7 =	sld [smem:$0x3FA4]  }
0x2d: {  	s3 =	simm.s32 $0x108;
	s8 =	sld [smem:$0x3FA5]  }
0x2e: {  	s3 =	simm.s32 @!p0 $0x1082;
	s9 =	sld [smem:$0x3FA6]  }
0x2f: {  	lr =	sadd.s32 s0, s3;
	s0 =	sld [smem:$0x3F9D]  }
0x30: {  	s3 =	sld [smem:$0x3FA0]  }
0x31: {  	[smem:$0x3FA9] =	sst s10  }
0x32: {  	s10 =	sld [smem:$0x3FA7];
	_ =	sdelay $0x3  }
0x33: {  	p0 =	seq.s32 s10, $0x1;
	s10 =	sld [smem:$0x3FA9];
	_ =	sdelay $0x3  }
0x34: {  	[smem:$0x3FA9] =	sst s10  }
0x35: {  	s10 =	sld [smem:$0x3FA8];
	_ =	sdelay $0x3  }
0x36: {  	p1 =	seq.s32 s10, $0x1;
	s10 =	sld [smem:$0x3FA9];
	_ =	sdelay $0x3  }
0x37: {  	[smem:$0x3FA9] =	sst s10  }
0x38: {  	s10 =	sld [smem:$0x3FAA]  }
0x39: {  	_ = 	snop;
	(pc) =	sbr.ind lr, $3  }
0x3a: {  	_ = 	snop  }
0x3b: {  	_ = 	snop  }
0x3c: {  	p2 =	seq.s32 s10, $0x1;
	s10 =	sld [smem:$0x3FA9]  }
0x3d: {  	_ =	shalt  }
0x3e: {  	_ =	shalt  }
0x3f: {  	_ =	shalt  }
0x40: {  	_ =	shalt  }
0x41: {  	_ =	shalt  }
0x42: {  	_ =	shalt  }
0x43: {  	_ =	shalt  }
0x44: {  	_ =	shalt  }
0x45: {  	_ =	shalt  }
0x46: {  	_ =	shalt  }
0x47: {  	_ =	shalt  }
0x48: {  	_ =	shalt  }
0x49: {  	_ =	shalt  }
0x4a: {  	_ =	shalt  }
0x4b: {  	_ =	shalt  }
0x4c: {  	_ =	shalt  }
0x4d: {  	_ =	shalt  }
0x4e: {  	_ =	shalt  }
0x4f: {  	_ =	shalt  }
0x50: {  	_ =	shalt  }
0x51: {  	_ =	shalt  }
0x52: {  	_ =	shalt  }
0x53: {  	_ =	shalt  }
0x54: {  	_ =	shalt  }
0x55: {  	_ =	shalt  }
0x56: {  	_ =	shalt  }
0x57: {  	_ =	shalt  }
0x58: {  	_ =	shalt  }
0x59: {  	_ =	shalt  }
0x5a: {  	_ =	shalt  }
0x5b: {  	_ =	shalt  }
0x5c: {  	_ =	shalt  }
0x5d: {  	_ =	shalt  }
0x5e: {  	_ =	shalt  }
0x5f: {  	_ =	shalt  }
0x60: {  	_ =	shalt  }
0x61: {  	_ =	shalt  }
0x62: {  	_ =	shalt  }
0x63: {  	_ =	shalt  }
0x64: {  	_ =	shalt  }
0x65: {  	_ =	shalt  }
0x66: {  	_ =	shalt  }
0x67: {  	_ =	shalt  }
0x68: {  	_ =	shalt  }
0x69: {  	_ =	shalt  }
0x6a: {  	_ =	shalt  }
0x6b: {  	_ =	shalt  }
0x6c: {  	_ =	shalt  }
0x6d: {  	_ =	shalt  }
0x6e: {  	_ =	shalt  }
0x6f: {  	_ =	shalt  }
0x70: {  	_ =	shalt  }
0x71: {  	_ =	shalt  }
0x72: {  	_ =	shalt  }
0x73: {  	_ =	shalt  }
0x74: {  	_ =	shalt  }
0x75: {  	_ =	shalt  }
0x76: {  	_ =	shalt  }
0x77: {  	_ =	shalt  }
0x78: {  	_ =	shalt  }
0x79: {  	_ =	shalt  }
0x7a: {  	_ =	shalt  }
0x7b: {  	_ =	shalt  }
0x7c: {  	_ =	shalt  }
0x7d: {  	_ =	shalt  }
0x7e: {  	_ =	shalt  }
0x7f: {  	_ =	shalt  }
0x80: {  	_ =	shalt  }
0x81: {  	_ =	shalt  }
0x82: {  	_ =	shalt  }
0x83: {  	_ =	shalt  }
0x84: {  	_ =	shalt  }
0x85: {  	_ =	shalt  }
0x86: {  	_ =	shalt  }
0x87: {  	_ =	shalt  }
.Lfunc_end0:
.L_simem_size_0:
called_computation_lowered:
.L_overlay_start_0:
0x88: {  	s2 =	sld [smem:$0x3FD9]  }
0x89: {  	s3 =	sld [smem:$0x3FFE];
	_ =	sdelay $0x1  }
0x8a: {  	s1 =	srdreg.scid  }
0x8b: {  	s0 =	sand.u32 $0x1, s1  }
0x8c: {  	s14 =	sshll.u32 s0, $0xA;
	s2 =	sadd.s32 s3, s2  }
0x8d: {  	s2 =	sadd.s32 s2, s14  }
0x8e: {  	[smem:$0x3FB5] =	sst s2  }
0x8f: {  	_ = 	snop  }
0x90: {  	s2 =	sld [smem:$0x3FD0];
	_ =	sdelay $0x2  }
0x91: {  	s15 =	simm.s32 $0xA;
	s4 =	simm.s32 $0x10  }
0x92: {  	[smem:s4], [sflag:s15] =	dma.local [hbm:s2], $0x1  }
0x93: {  	_ =	swait.eq [sflag:s15], $0x1  }
0x94: {  	[sflag:s15] =	ssyncset.done $0x0  }
0x95: {  	s16 =	sld [smem:$0x10];
	[sflag:s15] =	ssyncadd.s32 $0xFFFFFFFF  }
0x96: {  	s17 =	sld [smem:$0x11];
	(tm) =	ssettm $0x1  }
0x97: {  	s18 =	sld [smem:$0x3FFB];
	_ =	sdelay $0x3  }
0x98: {  	_ =	strace s18  }
0x99: {  	s4 =	sld [smem:$0x3FFC];
	_ =	sdelay $0x3  }
0x9a: {  	_ =	strace s4  }
0x9b: {  	s4 =	sld [smem:$0x3FFD];
	_ =	sdelay $0x3  }
0x9c: {  	_ =	strace s4  }
0x9d: {  	_ =	strace $0x8FFFFFFF  }
0x9e: {  	s19 =	sld [smem:$0x3FDB];
	_ =	sdelay $0x1  }
0x9f: {  	s5 =	simm.s32 $_scs_section_size  }
0xa0: {  	s6 =	simm.s32 $_size__tile_overlayer_lowered;
	s7 =	simm.s32 $_tile_overlayer_lowered  }
0xa1: {  	s22 =	simm.s32 $0x1BFF;
	s21 =	sshll.u32 s7, $0x1;
	s4 =	sadd.s32 s5, s19  }
0xa2: {  	s8 =	simm.s32 $0x0;
	s20 =	sshll.u32 s6, $0x1;
	s6 =	sadd.s32 s21, s4  }
0xa3: {  	[timem:s8], [sflag:s22] =	dma.local [hbm:s6], s20  }
0xa4: {  	_ =	swait.ge [sflag:s22], s20  }
0xa5: {  	s5 =	ssub.s32 $0x0, s20;
	[sflag:s22] =	ssyncset.done $0x0  }
0xa6: {  	[sflag:s22] =	ssyncadd.s32 s5;
	_ =	sdelay $0x1  }
0xa7: {  	s23 =	simm.s32 $0x1B8B  }
0xa8: {  	_ =	swait.ge [sflag:s23], $0x1  }
0xa9: {  	[sflag:s23] =	ssyncset.done $0x0  }
0xaa: {  	s25 =	simm.s32 $0x1B8E;
	s24 =	sld [smem:$0x3FFE];
	[sflag:s23] =	ssyncadd.s32 $0xFFFFFFFF  }
0xab: {  	s26 =	simm.s32 $execute0_lowered;
	[smem:$0x3FD2] =	sst s25  }
0xac: {  	s6 =	sshll.u32 s26, $0x1;
	_ =	strace $0x80000046;
	[dreg:$0x1] =	wrdreg $0xFFFFFFFF  }
0xad: {  	s28 =	simm.s32 $_size_execute0_lowered;
	s4 =	sadd.s32 s4, s6;
	[dreg:$0x0] =	wrdreg $0x0  }
0xae: {  	s6 =	sshll.u32 s28, $0x1;
	[dreg:$0x2] =	wrdreg s4  }
0xaf: {  	[dreg:$0x3] =	wrdreg s6  }
0xb0: {  	[dreg:$0x4] =	wrdreg $0xC0  }
0xb1: {  	_ =	task [dreg:s8], $0x5FFFF  }
0xb2: {  	[dreg:$0x1] =	wrdreg $0xFFFFFFFF  }
0xb3: {  	[dreg:$0x0] =	wrdreg $0x60  }
0xb4: {  	[dreg:$0x2] =	wrdreg s24  }
0xb5: {  	[dreg:$0x3] =	wrdreg s17  }
0xb6: {  	[dreg:$0x4] =	wrdreg s16  }
0xb7: {  	[dreg:$0x5] =	wrdreg $0x70900  }
0xb8: {  	[dreg:$0x6] =	wrdreg $0x9  }
0xb9: {  	_ =	task.clear_ibuf [dreg:s8], $0x7FFFF;
	_ =	strace $0x90000046  }
0xba: {  	s29 =	simm.s32 $0x9;
	_ =	strace $0x80000048  }
0xbb: {  	_ =	swait.ge [sflag:s29], $0x1  }
0xbc: {  	[sflag:s29] =	ssyncadd.s32 $0xFFFFFFFF  }
0xbd: {  	_ =	strace $0x90000048  }
0xbe: {  	_ =	sfence  }
0xbf: {  	s30 =	sld [smem:$0x0];
	_ =	sdelay $0x2  }
0xc0: {  	s31 =	sshll.u32 s1, $0xD;
	s1 =	sshrl.u32 s1, $0x2  }
0xc1: {  	s3 =	sand.u32 $0x4000, s31;
	s1 =	sadd.s32 s1, s30  }
0xc2: {  	s0 =	sor.u32 s3, s0;
	s1 =	sshll.u32 s1, $0x11  }
0xc3: {  	s0 =	sor.u32 s1, s0  }
0xc4: {  	s0 =	sadd.s32 $0x8F2B, s0  }
0xc5: {  	[sflag:s0] =	ssyncadd.remote.s32 $0x1  }
0xc6: {  	_ =	sfence.sel $0xFFFF  }
0xc7: {  	[dreg:$0x0] =	wrdreg $0xFFFFFFFF;
	(pc) =	sbr.abs _section_cstart, $3  }
0xc8: {  	[dreg:$0x1] =	wrdreg $0xFFFFFFFF  }
0xc9: {  	_ =	task.clear_ibuf [dreg:s8], $0x2FFFF;
	_ =	strace $0x9FFFFFFF  }
0xca: {  	(tm) =	ssettm $0x7FFFFFFF  }
0xcb: {  	_ =	shalt  }
tec
execute0_lowered:
.L_overlay_start_1:
0x0: {  	(tag) =	ssettag $0x1  }
0x1: {  	s9 =	rddreg [dreg:$0x0]  }
0x2: {  	s15 =	rddreg [dreg:$0x1]  }
0x3: {  	s2 =	rddreg [dreg:$0x2];
	s1 =	srdreg.scid  }
0x4: {  	s0 =	stileid.u32;
	s3 =	rddreg [dreg:$0x3]  }
0x5: {  	s4 =	simm.s32 $0x0;
	s13 =	sand.u32 $0x1, s1;
	s1 =	rddreg [dreg:$0x4]  }
0x6: {  	s7 =	smul.u32 $0x16800, s0;
	[smem:$0x7FF] =	sst s4  }
0x7: {  	s14 =	sshll.u32 s0, $0x1;
	s28 =	sshll.u32 s0, $0x6;
	s29 =	sshll.u32 s0, $0x5  }
0x8: {  	s17 =	sshll.u32 s0, $0x8;
	s5 =	smul.u32 $0x168000, s13;
	_ =	strace $0x80000047  }
0x9: {  	s10 =	ssub.s32 $0x2, s13;
	s18 =	sshll.u32 s13, $0x7;
	s30 =	sshll.u32 s13, $0x4  }
0xa: {  	s13 =	sor.u32 s13, s14;
	s26 =	sshrl.u32 s10, $0x1;
	s16 =	sadd.s32 s7, s3  }
0xb: {  	s17 =	sor.u32 s18, s17;
	s6 =	sadd.s32 s7, s5;
	s5 =	sadd.s32 $0x1000, s9  }
0xc: {  	s12 =	ssub.s32 s10, s26;
	s7 =	sor.u32 $0x1C02, s28;
	s31 =	sadd.s32 $0x9C400, s17  }
0xd: {  	s17 =	sadd.s32 $0xEA600, s17;
	s16 =	sshrl.u32 s16, $0x3;
	s8 =	sshrl.u32 s6, $0x3  }
0xe: {  	s6 =	sadd.s32 $0x1A00, s9;
	s18 =	sshrl.u32 s31, $0x3;
	s11 =	sadd.s32 s8, s9  }
0xf: {  	s17 =	sshrl.u32 s17, $0x3;
	s9 =	sadd.s32 $0x14E2, s9;
	s8 =	sadd.s32 $0x59A00, s11  }
0x10: {  	s10 =	sadd.s32 $0xB3A00, s11;
	s11 =	smax.u32 s12, $0x1;
	s12 =	sadd.s32 s29, s15  }
0x11: {  	s14 =	sadd.s32 s18, s15;
	s18 =	simm.s32 $0x0;
	s12 =	sadd.s32 s30, s12  }
0x12: {  	s15 =	sadd.s32 s17, s15;
	s17 =	simm.s32 $0x2;
	s12 =	sadd.s32 $0x9C40, s12  }
.LBB2_1:
0x13: {  	[spmem:s16], [sflag:s7] =	dma.local [hbm:s2], $0x2D00  }
0x14: {  	_ =	swait.ge [sflag:s17], $0x2D00  }
0x15: {  	[sflag:s17] =	ssyncset.done $0x0  }
0x16: {  	[sflag:s17] =	ssyncadd.s32 $0xFFFFD300  }
0x17: {  	[tilespmem:s4], [sflag:$0x2] =	stream.linear.gather [hbm4b:s5+s4], $0x2710, $0x38;
	[tilespmem:$0x1D890] =	vst v63  }
0x18: {  	s19 =	sadd.s32 $0x0, s13;
	_ =	swait.ge [sflag:s17], $0x2710  }
0x19: {  	p0 =	sgt.u32 s19, $0x9C3;
	[sflag:s17] =	ssyncset.done $0x0  }
0x1a: {  	s19 =	sadd.s32 @!p0 $0xFFFF63C0, s12;
	s20 =	simm.s32 @!p0 $0x0;
	[sflag:s17] =	ssyncadd.s32 $0xFFFFD8F0  }
0x1b: {  	s21 =	simm.s32 @!p0 $0x2710;
	s22 =	simm.s32 @!p0 $0x3;
	[bflag:$0x0] =	sbarrier.arrive $0xFFFF  }
0x1c: {  	[tilespmem:s21], [sflag:$0x3] =	stream.linear.gather @!p0 [hbm4b:s19+s20], $0x80, $0x38;
	[tilespmem:$0x1D890] =	vst v63  }
0x1d: {  	_ =	swait.ge @!p0 [sflag:s22], $0x80  }
0x1e: {  	[sflag:s22] =	ssyncset.done @!p0 $0x0;
	p0 =	por p0, p0  }
0x1f: {  	[sflag:s22] =	ssyncadd.s32 @!p0 $0xFFFFFF80;
	s19 =	simm.s32 @!p0 $0x2810  }
0x20: {  	[tilespmem:s19], [sflag:$0x3] =	stream.linear.gather @!p0 [hbm4b:s12+s20], $0x80, $0x38;
	[tilespmem:$0x1D890] =	vst v63  }
0x21: {  	_ =	swait.ge @!p0 [sflag:s22], $0x80  }
0x22: {  	[sflag:s22] =	ssyncset.done @!p0 $0x0  }
0x23: {  	[sflag:s22] =	ssyncadd.s32 @!p0 $0xFFFFFF80  }
0x24: {  	v0 =	vld @!p0 [tilespmem:$0x2710];
	_ =	sdelay $0x5  }
0x25: {  	v1 =	vld @!p0 [tilespmem:$0x2720];
	_ =	sdelay $0x1  }
0x26: {  	v0 =	vld.idx.msk @!p0 [tilespmem:v0+s20+$0x0], $0xffff;
	_ =	sdelay $0x3  }
0x27: {  	v2 =	vld @!p0 [tilespmem:$0x2730]  }
0x28: {  	[tilespmem:$0x2790] =	vst @!p0 v0  }
0x29: {  	v0 =	vld.idx.msk @!p0 [tilespmem:v1+s20+$0x0], $0xffff;
	_ =	sdelay $0x3  }
0x2a: {  	v1 =	vld @!p0 [tilespmem:$0x2740]  }
0x2b: {  	[tilespmem:$0x27A0] =	vst @!p0 v0  }
0x2c: {  	v0 =	vld.idx.msk @!p0 [tilespmem:v2+s20+$0x0], $0xffff;
	_ =	sdelay $0x3  }
0x2d: {  	v2 =	vld @!p0 [tilespmem:$0x2750]  }
0x2e: {  	[tilespmem:$0x27B0] =	vst @!p0 v0  }
0x2f: {  	v0 =	vld.idx.msk @!p0 [tilespmem:v1+s20+$0x0], $0xffff;
	_ =	sdelay $0x3  }
0x30: {  	v1 =	vld @!p0 [tilespmem:$0x2760]  }
0x31: {  	[tilespmem:$0x27C0] =	vst @!p0 v0  }
0x32: {  	v0 =	vld.idx.msk @!p0 [tilespmem:v2+s20+$0x0], $0xffff;
	_ =	sdelay $0x3  }
0x33: {  	v2 =	vld @!p0 [tilespmem:$0x2770]  }
0x34: {  	[tilespmem:$0x27D0] =	vst @!p0 v0  }
0x35: {  	v0 =	vld.idx.msk @!p0 [tilespmem:v1+s20+$0x0], $0xffff;
	_ =	sdelay $0x3  }
0x36: {  	v1 =	vld @!p0 [tilespmem:$0x2780]  }
0x37: {  	[tilespmem:$0x27E0] =	vst @!p0 v0  }
0x38: {  	v0 =	vld.idx.msk @!p0 [tilespmem:v2+s20+$0x0], $0xffff;
	_ =	sdelay $0x4  }
0x39: {  	[tilespmem:$0x27F0] =	vst @!p0 v0  }
0x3a: {  	v0 =	vld.idx.msk @!p0 [tilespmem:v1+s20+$0x0], $0xffff;
	_ =	sdelay $0x3  }
0x3b: {  	s21 =	simm.s32 @!p0 $0x80  }
0x3c: {  	s23 =	simm.s32 @!p0 $0x2890;
	s22 =	simm.s32 @!p0 $0x2790;
	s20 =	simm.s32 @!p0 $0x1;
	[tilespmem:$0x2800] =	vst @!p0 v0  }
0x3d: {  	[tilespmem:s23], [sflag:$0x1] =	stream.indirect.gather @!p0 [hbm4b:s6+s21], $0x90, s22, s21, $0xb8;
	[tilespmem:$0x1D890] =	vst v63  }
0x3e: {  	_ =	swait.ge @!p0 [sflag:s20], $0x4800  }
0x3f: {  	[sflag:s20] =	ssyncset.done @!p0 $0x0  }
0x40: {  	s31 =	sadd.s32 $0x20, s13;
	[sflag:s20] =	ssyncadd.s32 @!p0 $0xFFFFB800  }
0x41: {  	[spmem:s3] =	stream.indirect.scatter.add.f32 @!p0 [tilespmem:s23], [sflag:$0x2], $0x90, s19, s21, $0xb8;
	[tilespmem:$0x1D890] =	vst v63  }
0x42: {  	p2 =	sgt.u32 s31, $0x9C3;
	s21 =	simm.s32 @!p0 $0x2  }
0x43: {  	s20 =	simm.s32 $0x40;
	s19 =	sadd.s32 $0x200, s12;
	_ =	swait.ge @!p0 [sflag:s21], $0x4800  }
.LBB2_2:
0x44: {  	s22 =	sadd.s32 @!p2 $0xFFFF63C0, s19;
	s23 =	simm.s32 @!p2 $0x0;
	[sflag:s21] =	ssyncset.done @!p0 $0x0  }
0x45: {  	s24 =	simm.s32 @!p2 $0x2710;
	s25 =	simm.s32 @!p2 $0x3;
	[sflag:s21] =	ssyncadd.s32 @!p0 $0xFFFFB800  }
0x46: {  	[tilespmem:s24], [sflag:$0x3] =	stream.linear.gather @!p2 [hbm4b:s22+s23], $0x80, $0x38;
	[tilespmem:$0x1D890] =	vst v63  }
0x47: {  	s21 =	smov.u32 s20;
	s20 =	sadd.s32 $0x20, s20;
	_ =	swait.ge @!p2 [sflag:s25], $0x80  }
0x48: {  	p0 =	por p2, p2;
	p1 =	sne.s32 s20, $0x9E0;
	[sflag:s25] =	ssyncset.done @!p2 $0x0  }
0x49: {  	s22 =	simm.s32 @!p0 $0x2810;
	[sflag:s25] =	ssyncadd.s32 @!p0 $0xFFFFFF80  }
0x4a: {  	[tilespmem:s22], [sflag:$0x3] =	stream.linear.gather @!p0 [hbm4b:s19+s23], $0x80, $0x38;
	[tilespmem:$0x1D890] =	vst v63  }
0x4b: {  	_ =	swait.ge @!p0 [sflag:s25], $0x80  }
0x4c: {  	[sflag:s25] =	ssyncset.done @!p0 $0x0  }
0x4d: {  	[sflag:s25] =	ssyncadd.s32 @!p0 $0xFFFFFF80  }
0x4e: {  	v0 =	vld @!p0 [tilespmem:$0x2710]  }
0x4f: {  	v1 =	vld @!p0 [tilespmem:$0x2720]  }
0x50: {  	v2 =	vld @!p0 [tilespmem:$0x2730]  }
0x51: {  	v3 =	vld @!p0 [tilespmem:$0x2740]  }
0x52: {  	v4 =	vld @!p0 [tilespmem:$0x2750]  }
0x53: {  	v5 =	vld @!p0 [tilespmem:$0x2760]  }
0x54: {  	v6 =	vld @!p0 [tilespmem:$0x2770]  }
0x55: {  	v7 =	vld @!p0 [tilespmem:$0x2780]  }
0x56: {  	v0 =	vld.idx.msk @!p0 [tilespmem:v0+s23+$0x0], $0xffff;
	_ =	sdelay $0x5  }
0x57: {  	[tilespmem:$0x2790] =	vst @!p0 v0  }
0x58: {  	v0 =	vld.idx.msk @!p0 [tilespmem:v1+s23+$0x0], $0xffff;
	_ =	sdelay $0x5  }
0x59: {  	[tilespmem:$0x27A0] =	vst @!p0 v0  }
0x5a: {  	v0 =	vld.idx.msk @!p0 [tilespmem:v2+s23+$0x0], $0xffff;
	_ =	sdelay $0x5  }
0x5b: {  	[tilespmem:$0x27B0] =	vst @!p0 v0  }
0x5c: {  	v0 =	vld.idx.msk @!p0 [tilespmem:v3+s23+$0x0], $0xffff;
	_ =	sdelay $0x5  }
0x5d: {  	[tilespmem:$0x27C0] =	vst @!p0 v0  }
0x5e: {  	v0 =	vld.idx.msk @!p0 [tilespmem:v4+s23+$0x0], $0xffff;
	_ =	sdelay $0x5  }
0x5f: {  	[tilespmem:$0x27D0] =	vst @!p0 v0  }
0x60: {  	v0 =	vld.idx.msk @!p0 [tilespmem:v5+s23+$0x0], $0xffff;
	_ =	sdelay $0x5  }
0x61: {  	[tilespmem:$0x27E0] =	vst @!p0 v0  }
0x62: {  	v0 =	vld.idx.msk @!p0 [tilespmem:v6+s23+$0x0], $0xffff;
	_ =	sdelay $0x5  }
0x63: {  	[tilespmem:$0x27F0] =	vst @!p0 v0  }
0x64: {  	v0 =	vld.idx.msk @!p0 [tilespmem:v7+s23+$0x0], $0xffff;
	_ =	sdelay $0x4  }
0x65: {  	s23 =	simm.s32 @!p0 $0x1  }
0x66: {  	s24 =	simm.s32 @!p0 $0x80;
	s26 =	simm.s32 @!p0 $0x2890;
	s25 =	simm.s32 @!p0 $0x2790;
	[tilespmem:$0x2800] =	vst @!p0 v0  }
0x67: {  	[tilespmem:s26], [sflag:$0x1] =	stream.indirect.gather @!p0 [hbm4b:s6+s24], $0x90, s25, s24, $0xb8;
	[tilespmem:$0x1D890] =	vst v63  }
.Ltmp0:
0x68: {  	_ =	swait.ge @!p0 [sflag:s23], $0x4800;
	(pc) =	sbr.rel @p1 .LBB2_2-.Ltmp0, $4  }
0x69: {  	[sflag:s23] =	ssyncset.done @!p0 $0x0  }
0x6a: {  	s25 =	sadd.s32 s21, s13;
	s21 =	simm.s32 @!p0 $0x2;
	[sflag:s23] =	ssyncadd.s32 @!p0 $0xFFFFB800  }
0x6b: {  	[spmem:s3] =	stream.indirect.scatter.add.f32 @!p0 [tilespmem:s26], [sflag:$0x2], $0x90, s22, s24, $0xb8;
	[tilespmem:$0x1D890] =	vst v63  }
0x6c: {  	s19 =	sadd.s32 $0x200, s19;
	p2 =	sgt.u32 s25, $0x9C3;
	_ =	swait.ge @!p0 [sflag:s21], $0x4800  }
0x6d: {  	s20 =	sadd.s32 @!p2 $0xFFFF63C0, s19;
	s22 =	simm.s32 @!p2 $0x0;
	[sflag:s21] =	ssyncset.done @!p0 $0x0  }
0x6e: {  	s23 =	simm.s32 @!p2 $0x2710;
	s24 =	simm.s32 @!p2 $0x3;
	[sflag:s21] =	ssyncadd.s32 @!p0 $0xFFFFB800  }
0x6f: {  	[tilespmem:s23], [sflag:$0x3] =	stream.linear.gather @!p2 [hbm4b:s20+s22], $0x80, $0x38;
	[tilespmem:$0x1D890] =	vst v63  }
0x70: {  	_ =	swait.ge @!p2 [sflag:s24], $0x80  }
0x71: {  	p0 =	por p2, p2;
	[sflag:s24] =	ssyncset.done @!p2 $0x0  }
0x72: {  	s20 =	simm.s32 @!p0 $0x2810;
	[sflag:s24] =	ssyncadd.s32 @!p0 $0xFFFFFF80  }
0x73: {  	[tilespmem:s20], [sflag:$0x3] =	stream.linear.gather @!p0 [hbm4b:s19+s22], $0x80, $0x38;
	[tilespmem:$0x1D890] =	vst v63  }
0x74: {  	_ =	swait.ge @!p0 [sflag:s24], $0x80  }
0x75: {  	[sflag:s24] =	ssyncset.done @!p0 $0x0  }
0x76: {  	[sflag:s24] =	ssyncadd.s32 @!p0 $0xFFFFFF80  }
0x77: {  	v0 =	vld @!p0 [tilespmem:$0x2710];
	_ =	sdelay $0x5  }
0x78: {  	v1 =	vld @!p0 [tilespmem:$0x2720];
	_ =	sdelay $0x1  }
0x79: {  	v0 =	vld.idx.msk @!p0 [tilespmem:v0+s22+$0x0], $0xffff;
	_ =	sdelay $0x3  }
0x7a: {  	v2 =	vld @!p0 [tilespmem:$0x2730]  }
0x7b: {  	[tilespmem:$0x2790] =	vst @!p0 v0  }
0x7c: {  	v0 =	vld.idx.msk @!p0 [tilespmem:v1+s22+$0x0], $0xffff;
	_ =	sdelay $0x3  }
0x7d: {  	v1 =	vld @!p0 [tilespmem:$0x2740]  }
0x7e: {  	[tilespmem:$0x27A0] =	vst @!p0 v0  }
0x7f: {  	v0 =	vld.idx.msk @!p0 [tilespmem:v2+s22+$0x0], $0xffff;
	_ =	sdelay $0x3  }
0x80: {  	v2 =	vld @!p0 [tilespmem:$0x2750]  }
0x81: {  	[tilespmem:$0x27B0] =	vst @!p0 v0  }
0x82: {  	v0 =	vld.idx.msk @!p0 [tilespmem:v1+s22+$0x0], $0xffff;
	_ =	sdelay $0x3  }
0x83: {  	v1 =	vld @!p0 [tilespmem:$0x2760]  }
0x84: {  	[tilespmem:$0x27C0] =	vst @!p0 v0  }
0x85: {  	v0 =	vld.idx.msk @!p0 [tilespmem:v2+s22+$0x0], $0xffff;
	_ =	sdelay $0x3  }
0x86: {  	v2 =	vld @!p0 [tilespmem:$0x2770]  }
0x87: {  	[tilespmem:$0x27D0] =	vst @!p0 v0  }
0x88: {  	v0 =	vld.idx.msk @!p0 [tilespmem:v1+s22+$0x0], $0xffff;
	_ =	sdelay $0x3  }
0x89: {  	v1 =	vld @!p0 [tilespmem:$0x2780]  }
0x8a: {  	[tilespmem:$0x27E0] =	vst @!p0 v0  }
0x8b: {  	v0 =	vld.idx.msk @!p0 [tilespmem:v2+s22+$0x0], $0xffff;
	_ =	sdelay $0x4  }
0x8c: {  	[tilespmem:$0x27F0] =	vst @!p0 v0  }
0x8d: {  	v0 =	vld.idx.msk @!p0 [tilespmem:v1+s22+$0x0], $0xffff;
	_ =	sdelay $0x3  }
0x8e: {  	s21 =	simm.s32 @!p0 $0x80  }
0x8f: {  	s23 =	simm.s32 @!p0 $0x2890;
	s19 =	simm.s32 @!p0 $0x1;
	s22 =	simm.s32 @!p0 $0x2790;
	[tilespmem:$0x2800] =	vst @!p0 v0  }
0x90: {  	[tilespmem:s23], [sflag:$0x1] =	stream.indirect.gather @!p0 [hbm4b:s6+s21], $0x90, s22, s21, $0xb8;
	[tilespmem:$0x1D890] =	vst v63  }
0x91: {  	_ =	swait.ge @!p0 [sflag:s19], $0x4800  }
0x92: {  	[sflag:s19] =	ssyncset.done @!p0 $0x0  }
0x93: {  	[sflag:s19] =	ssyncadd.s32 @!p0 $0xFFFFB800;
	s19 =	simm.s32 @!p0 $0x2  }
0x94: {  	[spmem:s3] =	stream.indirect.scatter.add.f32 @!p0 [tilespmem:s23], [sflag:$0x2], $0x90, s20, s21, $0xb8;
	[tilespmem:$0x1D890] =	vst v63  }
0x95: {  	_ =	swait.ge @!p0 [sflag:s19], $0x4800  }
0x96: {  	[sflag:s19] =	ssyncset.done @!p0 $0x0  }
0x97: {  	[sflag:s19] =	ssyncadd.s32 @!p0 $0xFFFFB800  }
0x98: {  	[bflag:$0x0] =	sbarrier.arrive $0xFFFF  }
0x99: {  	[hbm:s8], [sflag:s7] =	dma.local [spmem:s16], $0x2D00  }
0x9a: {  	_ =	swait.ge [sflag:s17], $0x2D00  }
0x9b: {  	[sflag:s17] =	ssyncset.done $0x0  }
0x9c: {  	[sflag:s17] =	ssyncadd.s32 $0xFFFFD300  }
0x9d: {  	[spmem:s16], [sflag:s7] =	dma.local [hbm:s2], $0x2D00  }
0x9e: {  	_ =	swait.ge [sflag:s17], $0x2D00  }
0x9f: {  	[sflag:s17] =	ssyncset.done $0x0  }
0xa0: {  	s31 =	simm.s32 $0x0;
	[sflag:s17] =	ssyncadd.s32 $0xFFFFD300  }
0xa1: {  	[tilespmem:s31], [sflag:$0x2] =	stream.linear.gather [hbm4b:s9+s31], $0x2710, $0x38;
	[tilespmem:$0x1D890] =	vst v63  }
0xa2: {  	_ =	swait.ge [sflag:s17], $0x2710  }
0xa3: {  	p0 =	sgt.u32 s13, $0x9C3;
	[sflag:s17] =	ssyncset.done $0x0  }
0xa4: {  	s19 =	sadd.s32 @!p0 $0x0, s14;
	s20 =	simm.s32 @!p0 $0x0;
	[sflag:s17] =	ssyncadd.s32 $0xFFFFD8F0  }
0xa5: {  	s21 =	simm.s32 @!p0 $0x2710;
	s22 =	simm.s32 @!p0 $0x3;
	[bflag:$0x0] =	sbarrier.arrive $0xFFFF  }
0xa6: {  	[tilespmem:s21], [sflag:$0x3] =	stream.linear.gather @!p0 [hbm4b:s19+s20], $0x80, $0x38;
	[tilespmem:$0x1D890] =	vst v63  }
0xa7: {  	_ =	swait.ge @!p0 [sflag:s22], $0x80  }
0xa8: {  	[sflag:s22] =	ssyncset.done @!p0 $0x0;
	p0 =	por p0, p0  }
0xa9: {  	[sflag:s22] =	ssyncadd.s32 @!p0 $0xFFFFFF80;
	s19 =	sadd.s32 @!p0 $0x0, s15;
	s21 =	simm.s32 @!p0 $0x2810  }
0xaa: {  	[tilespmem:s21], [sflag:$0x3] =	stream.linear.gather @!p0 [hbm4b:s19+s20], $0x80, $0x38;
	[tilespmem:$0x1D890] =	vst v63  }
0xab: {  	_ =	swait.ge @!p0 [sflag:s22], $0x80  }
0xac: {  	[sflag:s22] =	ssyncset.done @!p0 $0x0  }
0xad: {  	[sflag:s22] =	ssyncadd.s32 @!p0 $0xFFFFFF80  }
0xae: {  	v0 =	vld @!p0 [tilespmem:$0x2710];
	_ =	sdelay $0x6  }
0xaf: {  	v1 =	vld @!p0 [tilespmem:$0x2720]  }
0xb0: {  	v0 =	vld.idx.msk @!p0 [tilespmem:v0+s20+$0x0], $0xffff;
	_ =	sdelay $0x4  }
0xb1: {  	v0 =	vadd.s32 @!p0 $0x2710, v0  }
0xb2: {  	v2 =	vld @!p0 [tilespmem:$0x2730];
	[tilespmem:$0x2790] =	vst @!p0 v0  }
0xb3: {  	v0 =	vld.idx.msk @!p0 [tilespmem:v1+s20+$0x0], $0xffff;
	_ =	sdelay $0x4  }
0xb4: {  	v0 =	vadd.s32 @!p0 $0x2710, v0  }
0xb5: {  	v1 =	vld @!p0 [tilespmem:$0x2740];
	[tilespmem:$0x27A0] =	vst @!p0 v0  }
0xb6: {  	v0 =	vld.idx.msk @!p0 [tilespmem:v2+s20+$0x0], $0xffff;
	_ =	sdelay $0x4  }
0xb7: {  	v0 =	vadd.s32 @!p0 $0x2710, v0  }
0xb8: {  	v2 =	vld @!p0 [tilespmem:$0x2750];
	[tilespmem:$0x27B0] =	vst @!p0 v0  }
0xb9: {  	v0 =	vld.idx.msk @!p0 [tilespmem:v1+s20+$0x0], $0xffff;
	_ =	sdelay $0x4  }
0xba: {  	v0 =	vadd.s32 @!p0 $0x2710, v0  }
0xbb: {  	v1 =	vld @!p0 [tilespmem:$0x2760];
	[tilespmem:$0x27C0] =	vst @!p0 v0  }
0xbc: {  	v0 =	vld.idx.msk @!p0 [tilespmem:v2+s20+$0x0], $0xffff;
	_ =	sdelay $0x4  }
0xbd: {  	v0 =	vadd.s32 @!p0 $0x2710, v0  }
0xbe: {  	v2 =	vld @!p0 [tilespmem:$0x2770];
	[tilespmem:$0x27D0] =	vst @!p0 v0  }
0xbf: {  	v0 =	vld.idx.msk @!p0 [tilespmem:v1+s20+$0x0], $0xffff;
	_ =	sdelay $0x4  }
0xc0: {  	v0 =	vadd.s32 @!p0 $0x2710, v0  }
0xc1: {  	v1 =	vld @!p0 [tilespmem:$0x2780];
	[tilespmem:$0x27E0] =	vst @!p0 v0  }
0xc2: {  	v0 =	vld.idx.msk @!p0 [tilespmem:v2+s20+$0x0], $0xffff;
	_ =	sdelay $0x4  }
0xc3: {  	v0 =	vadd.s32 @!p0 $0x2710, v0  }
0xc4: {  	[tilespmem:$0x27F0] =	vst @!p0 v0  }
0xc5: {  	v0 =	vld.idx.msk @!p0 [tilespmem:v1+s20+$0x0], $0xffff;
	_ =	sdelay $0x4  }
0xc6: {  	s23 =	simm.s32 @!p0 $0x2890;
	v0 =	vadd.s32 @!p0 $0x2710, v0  }
0xc7: {  	s19 =	simm.s32 @!p0 $0x1;
	s22 =	simm.s32 @!p0 $0x2790;
	s20 =	simm.s32 @!p0 $0x80;
	[tilespmem:$0x2800] =	vst @!p0 v0  }
0xc8: {  	[tilespmem:s23], [sflag:$0x1] =	stream.indirect.gather @!p0 [hbm4b:s6+s20], $0x90, s22, s20, $0xb8;
	[tilespmem:$0x1D890] =	vst v63  }
0xc9: {  	_ =	swait.ge @!p0 [sflag:s19], $0x4800  }
0xca: {  	[sflag:s19] =	ssyncset.done @!p0 $0x0  }
0xcb: {  	[sflag:s19] =	ssyncadd.s32 @!p0 $0xFFFFB800  }
0xcc: {  	[spmem:s3] =	stream.indirect.scatter.add.f32 @!p0 [tilespmem:s23], [sflag:$0x2], $0x90, s21, s20, $0xb8;
	[tilespmem:$0x1D890] =	vst v63  }
0xcd: {  	s24 =	simm.s32 @!p0 $0x2;
	s19 =	simm.s32 $0x200;
	s20 =	sadd.s32 $0x20, s13  }
0xce: {  	s21 =	simm.s32 $0x400;
	p2 =	sgt.u32 s20, $0x9C3;
	_ =	swait.ge @!p0 [sflag:s24], $0x4800  }
.LBB2_4:
0xcf: {  	s22 =	sadd.s32 @!p2 s19, s14;
	s23 =	simm.s32 @!p2 $0x0;
	[sflag:s24] =	ssyncset.done @!p0 $0x0  }
0xd0: {  	s25 =	simm.s32 @!p2 $0x2710;
	s26 =	simm.s32 @!p2 $0x3;
	[sflag:s24] =	ssyncadd.s32 @!p0 $0xFFFFB800  }
0xd1: {  	[tilespmem:s25], [sflag:$0x3] =	stream.linear.gather @!p2 [hbm4b:s22+s23], $0x80, $0x38;
	[tilespmem:$0x1D890] =	vst v63  }
0xd2: {  	s24 =	smov.u32 s21;
	s21 =	sadd.s32 $0x200, s21;
	_ =	swait.ge @!p2 [sflag:s26], $0x80  }
0xd3: {  	p0 =	por p2, p2;
	p1 =	sne.s32 s21, $0x9E00;
	[sflag:s26] =	ssyncset.done @!p2 $0x0  }
0xd4: {  	s19 =	sadd.s32 @!p0 s19, s15;
	s22 =	simm.s32 @!p0 $0x2810;
	[sflag:s26] =	ssyncadd.s32 @!p0 $0xFFFFFF80  }
0xd5: {  	[tilespmem:s22], [sflag:$0x3] =	stream.linear.gather @!p0 [hbm4b:s19+s23], $0x80, $0x38;
	[tilespmem:$0x1D890] =	vst v63  }
0xd6: {  	s19 =	smov.u32 s24;
	_ =	swait.ge @!p0 [sflag:s26], $0x80  }
0xd7: {  	[sflag:s26] =	ssyncset.done @!p0 $0x0  }
0xd8: {  	[sflag:s26] =	ssyncadd.s32 @!p0 $0xFFFFFF80  }
0xd9: {  	v0 =	vld @!p0 [tilespmem:$0x2710]  }
0xda: {  	v1 =	vld @!p0 [tilespmem:$0x2720]  }
0xdb: {  	v2 =	vld @!p0 [tilespmem:$0x2730]  }
0xdc: {  	v3 =	vld @!p0 [tilespmem:$0x2740]  }
0xdd: {  	v4 =	vld @!p0 [tilespmem:$0x2750]  }
0xde: {  	v5 =	vld @!p0 [tilespmem:$0x2760]  }
0xdf: {  	v6 =	vld @!p0 [tilespmem:$0x2770]  }
0xe0: {  	v7 =	vld @!p0 [tilespmem:$0x2780]  }
0xe1: {  	v0 =	vld.idx.msk @!p0 [tilespmem:v0+s23+$0x0], $0xffff;
	_ =	sdelay $0x5  }
0xe2: {  	v0 =	vadd.s32 @!p0 $0x2710, v0  }
0xe3: {  	[tilespmem:$0x2790] =	vst @!p0 v0  }
0xe4: {  	v0 =	vld.idx.msk @!p0 [tilespmem:v1+s23+$0x0], $0xffff;
	_ =	sdelay $0x5  }
0xe5: {  	v0 =	vadd.s32 @!p0 $0x2710, v0  }
0xe6: {  	[tilespmem:$0x27A0] =	vst @!p0 v0  }
0xe7: {  	v0 =	vld.idx.msk @!p0 [tilespmem:v2+s23+$0x0], $0xffff;
	_ =	sdelay $0x5  }
0xe8: {  	v0 =	vadd.s32 @!p0 $0x2710, v0  }
0xe9: {  	[tilespmem:$0x27B0] =	vst @!p0 v0  }
0xea: {  	v0 =	vld.idx.msk @!p0 [tilespmem:v3+s23+$0x0], $0xffff;
	_ =	sdelay $0x5  }
0xeb: {  	v0 =	vadd.s32 @!p0 $0x2710, v0  }
0xec: {  	[tilespmem:$0x27C0] =	vst @!p0 v0  }
0xed: {  	v0 =	vld.idx.msk @!p0 [tilespmem:v4+s23+$0x0], $0xffff;
	_ =	sdelay $0x5  }
0xee: {  	v0 =	vadd.s32 @!p0 $0x2710, v0  }
0xef: {  	[tilespmem:$0x27D0] =	vst @!p0 v0  }
0xf0: {  	v0 =	vld.idx.msk @!p0 [tilespmem:v5+s23+$0x0], $0xffff;
	_ =	sdelay $0x5  }
0xf1: {  	v0 =	vadd.s32 @!p0 $0x2710, v0  }
0xf2: {  	[tilespmem:$0x27E0] =	vst @!p0 v0  }
0xf3: {  	v0 =	vld.idx.msk @!p0 [tilespmem:v6+s23+$0x0], $0xffff;
	_ =	sdelay $0x5  }
0xf4: {  	v0 =	vadd.s32 @!p0 $0x2710, v0  }
0xf5: {  	[tilespmem:$0x27F0] =	vst @!p0 v0  }
0xf6: {  	v0 =	vld.idx.msk @!p0 [tilespmem:v7+s23+$0x0], $0xffff;
	_ =	sdelay $0x5  }
0xf7: {  	s23 =	simm.s32 @!p0 $0x1;
	v0 =	vadd.s32 @!p0 $0x2710, v0  }
0xf8: {  	s25 =	simm.s32 @!p0 $0x80;
	s24 =	simm.s32 @!p0 $0x2790;
	s26 =	simm.s32 @!p0 $0x2890;
	[tilespmem:$0x2800] =	vst @!p0 v0  }
0xf9: {  	[tilespmem:s26], [sflag:$0x1] =	stream.indirect.gather @!p0 [hbm4b:s6+s25], $0x90, s24, s25, $0xb8;
	[tilespmem:$0x1D890] =	vst v63  }
.Ltmp1:
0xfa: {  	_ =	swait.ge @!p0 [sflag:s23], $0x4800;
	(pc) =	sbr.rel @p1 .LBB2_4-.Ltmp1, $4  }
0xfb: {  	[sflag:s23] =	ssyncset.done @!p0 $0x0  }
0xfc: {  	s20 =	sadd.s32 $0x20, s20;
	s24 =	simm.s32 @!p0 $0x2;
	[sflag:s23] =	ssyncadd.s32 @!p0 $0xFFFFB800  }
0xfd: {  	[spmem:s3] =	stream.indirect.scatter.add.f32 @!p0 [tilespmem:s26], [sflag:$0x2], $0x90, s22, s25, $0xb8;
	[tilespmem:$0x1D890] =	vst v63  }
0xfe: {  	p2 =	sgt.u32 s20, $0x9C3;
	_ =	swait.ge @!p0 [sflag:s24], $0x4800  }
0xff: {  	s20 =	sadd.s32 @!p2 s19, s14;
	s21 =	simm.s32 @!p2 $0x0;
	[sflag:s24] =	ssyncset.done @!p0 $0x0  }
0x100: {  	s22 =	simm.s32 @!p2 $0x2710;
	s23 =	simm.s32 @!p2 $0x3;
	[sflag:s24] =	ssyncadd.s32 @!p0 $0xFFFFB800  }
0x101: {  	[tilespmem:s22], [sflag:$0x3] =	stream.linear.gather @!p2 [hbm4b:s20+s21], $0x80, $0x38;
	[tilespmem:$0x1D890] =	vst v63  }
0x102: {  	_ =	swait.ge @!p2 [sflag:s23], $0x80  }
0x103: {  	p0 =	por p2, p2;
	[sflag:s23] =	ssyncset.done @!p2 $0x0  }
0x104: {  	s19 =	sadd.s32 @!p0 s19, s15;
	s20 =	simm.s32 @!p0 $0x2810;
	[sflag:s23] =	ssyncadd.s32 @!p0 $0xFFFFFF80  }
0x105: {  	[tilespmem:s20], [sflag:$0x3] =	stream.linear.gather @!p0 [hbm4b:s19+s21], $0x80, $0x38;
	[tilespmem:$0x1D890] =	vst v63  }
0x106: {  	_ =	swait.ge @!p0 [sflag:s23], $0x80  }
0x107: {  	[sflag:s23] =	ssyncset.done @!p0 $0x0  }
0x108: {  	[sflag:s23] =	ssyncadd.s32 @!p0 $0xFFFFFF80  }
0x109: {  	v0 =	vld @!p0 [tilespmem:$0x2710];
	_ =	sdelay $0x6  }
0x10a: {  	v1 =	vld @!p0 [tilespmem:$0x2720]  }
0x10b: {  	v0 =	vld.idx.msk @!p0 [tilespmem:v0+s21+$0x0], $0xffff;
	_ =	sdelay $0x4  }
0x10c: {  	v0 =	vadd.s32 @!p0 $0x2710, v0  }
0x10d: {  	v2 =	vld @!p0 [tilespmem:$0x2730];
	[tilespmem:$0x2790] =	vst @!p0 v0  }
0x10e: {  	v0 =	vld.idx.msk @!p0 [tilespmem:v1+s21+$0x0], $0xffff;
	_ =	sdelay $0x4  }
0x10f: {  	v0 =	vadd.s32 @!p0 $0x2710, v0  }
0x110: {  	v1 =	vld @!p0 [tilespmem:$0x2740];
	[tilespmem:$0x27A0] =	vst @!p0 v0  }
0x111: {  	v0 =	vld.idx.msk @!p0 [tilespmem:v2+s21+$0x0], $0xffff;
	_ =	sdelay $0x4  }
0x112: {  	v0 =	vadd.s32 @!p0 $0x2710, v0  }
0x113: {  	v2 =	vld @!p0 [tilespmem:$0x2750];
	[tilespmem:$0x27B0] =	vst @!p0 v0  }
0x114: {  	v0 =	vld.idx.msk @!p0 [tilespmem:v1+s21+$0x0], $0xffff;
	_ =	sdelay $0x4  }
0x115: {  	v0 =	vadd.s32 @!p0 $0x2710, v0  }
0x116: {  	v1 =	vld @!p0 [tilespmem:$0x2760];
	[tilespmem:$0x27C0] =	vst @!p0 v0  }
0x117: {  	v0 =	vld.idx.msk @!p0 [tilespmem:v2+s21+$0x0], $0xffff;
	_ =	sdelay $0x4  }
0x118: {  	v0 =	vadd.s32 @!p0 $0x2710, v0  }
0x119: {  	v2 =	vld @!p0 [tilespmem:$0x2770];
	[tilespmem:$0x27D0] =	vst @!p0 v0  }
0x11a: {  	v0 =	vld.idx.msk @!p0 [tilespmem:v1+s21+$0x0], $0xffff;
	_ =	sdelay $0x4  }
0x11b: {  	v0 =	vadd.s32 @!p0 $0x2710, v0  }
0x11c: {  	v1 =	vld @!p0 [tilespmem:$0x2780];
	[tilespmem:$0x27E0] =	vst @!p0 v0  }
0x11d: {  	v0 =	vld.idx.msk @!p0 [tilespmem:v2+s21+$0x0], $0xffff;
	_ =	sdelay $0x4  }
0x11e: {  	v0 =	vadd.s32 @!p0 $0x2710, v0  }
0x11f: {  	[tilespmem:$0x27F0] =	vst @!p0 v0  }
0x120: {  	v0 =	vld.idx.msk @!p0 [tilespmem:v1+s21+$0x0], $0xffff;
	_ =	sdelay $0x4  }
0x121: {  	s22 =	simm.s32 @!p0 $0x2790;
	v0 =	vadd.s32 @!p0 $0x2710, v0  }
0x122: {  	s19 =	simm.s32 @!p0 $0x1;
	s23 =	simm.s32 @!p0 $0x2890;
	s21 =	simm.s32 @!p0 $0x80;
	[tilespmem:$0x2800] =	vst @!p0 v0  }
0x123: {  	[tilespmem:s23], [sflag:$0x1] =	stream.indirect.gather @!p0 [hbm4b:s6+s21], $0x90, s22, s21, $0xb8;
	[tilespmem:$0x1D890] =	vst v63  }
0x124: {  	_ =	swait.ge @!p0 [sflag:s19], $0x4800  }
0x125: {  	[sflag:s19] =	ssyncset.done @!p0 $0x0  }
0x126: {  	[sflag:s19] =	ssyncadd.s32 @!p0 $0xFFFFB800;
	s19 =	simm.s32 @!p0 $0x2  }
0x127: {  	[spmem:s3] =	stream.indirect.scatter.add.f32 @!p0 [tilespmem:s23], [sflag:$0x2], $0x90, s20, s21, $0xb8;
	[tilespmem:$0x1D890] =	vst v63  }
0x128: {  	_ =	swait.ge @!p0 [sflag:s19], $0x4800  }
0x129: {  	s18 =	sadd.s32 $0x1, s18;
	[sflag:s19] =	ssyncset.done @!p0 $0x0  }
0x12a: {  	[sflag:s19] =	ssyncadd.s32 @!p0 $0xFFFFB800;
	p0 =	sne.s32 s18, s11  }
.Ltmp2:
0x12b: {  	[bflag:$0x0] =	sbarrier.arrive $0xFFFF;
	(pc) =	sbr.rel @p0 .LBB2_1-.Ltmp2, $4  }
0x12c: {  	[hbm:s10], [sflag:s7] =	dma.local [spmem:s16], $0x2D00  }
0x12d: {  	_ =	swait.ge [sflag:s17], $0x2D00  }
0x12e: {  	[sflag:s17] =	ssyncset.done $0x0  }
0x12f: {  	[sflag:s17] =	ssyncadd.s32 $0xFFFFD300  }
0x130: {  	_ =	sfence.sel $0x180000  }
0x131: {  	[bflag:$0x0] =	sbarrier.arrive $0xFFFF  }
0x132: {  	p0 =	sne.s32 s0, $0x0;
	_ =	strace $0x90000047  }
0x133: {  	s0 =	sadd.s32 @!p0 $0x100000, s1;
	[bflag:$0x2] =	sbarrier.arrive $0xFFFF  }
0x134: {  	[sflag:s0] =	ssyncadd.tile.s32 @!p0 $0x1;
	_ =	shalt  }
.Lfunc_end2:
_tile_overlayer_lowered:
.L_overlay_start_2:
0x135: {  	(tag) =	ssettag $0x2  }
0x136: {  	s0 =	rddreg [dreg:$0x0];
	s2 =	stileid.u32  }
0x137: {  	s1 =	rddreg [dreg:$0x1];
	p0 =	sne.s32 s2, $0x0  }
0x138: {  	s3 =	rddreg [dreg:$0x2];
	[bflag:$0x3] =	sbarrier.arrive $0xFFFF;
	s2 =	simm.s32 @!p0 $0x1C02  }
0x139: {  	[timem:s3], [sflag:s2] =	dma.local @!p0 [hbm:s0], s1  }
0x13a: {  	s0 =	simm.s32 @!p0 $0x2  }
0x13b: {  	_ =	swait.ge @!p0 [sflag:s0], s1  }
0x13c: {  	s1 =	ssub.s32 @!p0 $0x0, s1;
	[sflag:s0] =	ssyncset.done @!p0 $0x0  }
0x13d: {  	[sflag:s0] =	ssyncadd.s32 @!p0 s1  }
0x13e: {  	[bflag:$0x3] =	sbarrier.arrive $0xFFFF  }
0x13f: {  	_ =	shalt  }

</sc_bundles>
